<compile_context>
chip_gen: v7x
topology: tpu7x:2x2x1
jax: 0.10.2.dev20260603
libtpu: 0.0.44.dev20260713+nightly
codegen_flags: <defaults>
</compile_context>

<pallas_src>
import functools

import jax
import jax.numpy as jnp
from jax.experimental import pallas as pl
from jax.experimental.pallas import tpu as pltpu
from jax.experimental.pallas import tpu_sc as plsc

N_TOKEN = 100000
D_PROJ = 1024
CUT0, CUT1, CUT2 = 20000, 60000, 100000
D0, D1, D2 = 1024, 256, 64
N_TOK_TOTAL = 8192

TOK_BLOCK = 512

SPLIT0 = 4
SPLIT1 = 2

NC, NS = 2, 16
NW = NC * NS
TOK_W = N_TOK_TOTAL // NW

PLAN0 = (TOK_W * SPLIT0, 128, D0 // SPLIT0)
PLAN1 = (TOK_W * SPLIT1, 128, D1 // SPLIT1)
PLAN2 = (TOK_W, 64, 2 * D2)


def _sc_gather(w0, w1, w2, i0q, i1d, i2):
    mesh = plsc.VectorSubcoreMesh(core_axis_name="c", subcore_axis_name="s")

    out_type = (
        jax.ShapeDtypeStruct((N_TOK_TOTAL * SPLIT0, D0 // SPLIT0), jnp.float32),
        jax.ShapeDtypeStruct((N_TOK_TOTAL * SPLIT1, D1 // SPLIT1), jnp.float32),
        jax.ShapeDtypeStruct((N_TOK_TOTAL, 2 * D2), jnp.float32),
    )

    scratch_types = [
        pltpu.VMEM((PLAN0[0],), jnp.int32),
        pltpu.VMEM((PLAN1[0],), jnp.int32),
        pltpu.VMEM((PLAN2[0],), jnp.int32),
        pltpu.VMEM((PLAN0[1], PLAN0[2]), jnp.float32),
        pltpu.VMEM((PLAN0[1], PLAN0[2]), jnp.float32),
        pltpu.VMEM((PLAN1[1], PLAN1[2]), jnp.float32),
        pltpu.VMEM((PLAN1[1], PLAN1[2]), jnp.float32),
        pltpu.VMEM((PLAN2[1], PLAN2[2]), jnp.float32),
        pltpu.VMEM((PLAN2[1], PLAN2[2]), jnp.float32),
        pltpu.SemaphoreType.DMA,
        pltpu.SemaphoreType.DMA,
        pltpu.SemaphoreType.DMA,
        pltpu.SemaphoreType.DMA,
    ]

    @functools.partial(pl.kernel, out_type=out_type, mesh=mesh,
                       scratch_types=scratch_types)
    def gather_kernel(w0h, w1h, w2h, i0h, i1h, i2h, e0h, e1h, e2h,
                      i0v, i1v, i2v, b0a, b0b, b1a, b1b, b2a, b2b,
                      gsa, gsb, osa, osb):
        wid = jax.lax.axis_index("s") * NC + jax.lax.axis_index("c")

        def run_table(wh, ih, eh, iv, bufs, plan):
            n_sub, chunk, _ = plan
            n_chunks = n_sub // chunk
            base = wid * n_sub
            pltpu.sync_copy(ih.at[pl.ds(base, n_sub)], iv)
            gsems = (gsa, gsb)
            osems = (osa, osb)

            def fire_gather(c):
                b = c % 2
                return pltpu.async_copy(
                    wh.at[iv.at[pl.ds(c * chunk, chunk)]], bufs[b], gsems[b])

            def fire_out(c):
                b = c % 2
                return pltpu.async_copy(
                    bufs[b], eh.at[pl.ds(base + c * chunk, chunk)], osems[b])

            gh = [None] * n_chunks
            oh = [None] * n_chunks
            gh[0] = fire_gather(0)
            for c in range(n_chunks):
                if c + 1 < n_chunks:
                    if c >= 1:
                        oh[c - 1].wait()
                    gh[c + 1] = fire_gather(c + 1)
                gh[c].wait()
                oh[c] = fire_out(c)
            oh[n_chunks - 1].wait()
            if n_chunks >= 2:
                oh[n_chunks - 2].wait()

        run_table(w0h, i0h, e0h, i0v, (b0a, b0b), PLAN0)
        run_table(w1h, i1h, e1h, i1v, (b1a, b1b), PLAN1)
        run_table(w2h, i2h, e2h, i2v, (b2a, b2b), PLAN2)

    return gather_kernel(w0.reshape(-1, D0 // SPLIT0),
                         w1.reshape(-1, D1 // SPLIT1),
                         w2.reshape(-1, 2 * D2), i0q, i1d, i2)


def _tc_project_body(inp_ref, e0_ref, e1_ref, e2_ref, p0_ref, p1_ref, p2_ref,
                     out_ref):
    tok = inp_ref[...]
    m0 = tok < CUT0
    m1 = jnp.logical_and(tok >= CUT0, tok < CUT1)
    m2 = tok >= CUT1
    odd = jnp.equal(jnp.bitwise_and(tok, 1), 1)
    e2pair = e2_ref[...]
    e2 = jnp.where(odd, e2pair[:, D2:], e2pair[:, :D2])
    a0 = jnp.where(m0, e0_ref[...], 0.0).astype(jnp.bfloat16)
    a1 = jnp.where(m1, e1_ref[...], 0.0).astype(jnp.bfloat16)
    a2 = jnp.where(m2, e2, 0.0).astype(jnp.bfloat16)
    acc = jnp.dot(a0, p0_ref[...], preferred_element_type=jnp.float32)
    acc = acc + jnp.dot(a1, p1_ref[...], preferred_element_type=jnp.float32)
    acc = acc + jnp.dot(a2, p2_ref[...], preferred_element_type=jnp.float32)
    out_ref[...] = acc * (D_PROJ ** 0.5)


def _tc_project(inp2, e0, e1, e2, p0b, p1b, p2b):
    grid = (N_TOK_TOTAL // TOK_BLOCK,)
    return pl.pallas_call(
        _tc_project_body,
        grid=grid,
        in_specs=[
            pl.BlockSpec((TOK_BLOCK, 1), lambda i: (i, 0)),
            pl.BlockSpec((TOK_BLOCK, D0), lambda i: (i, 0)),
            pl.BlockSpec((TOK_BLOCK, D1), lambda i: (i, 0)),
            pl.BlockSpec((TOK_BLOCK, 2 * D2), lambda i: (i, 0)),
            pl.BlockSpec((D0, D_PROJ), lambda i: (0, 0)),
            pl.BlockSpec((D1, D_PROJ), lambda i: (0, 0)),
            pl.BlockSpec((D2, D_PROJ), lambda i: (0, 0)),
        ],
        out_specs=pl.BlockSpec((TOK_BLOCK, D_PROJ), lambda i: (i, 0)),
        out_shape=jax.ShapeDtypeStruct((N_TOK_TOTAL, D_PROJ), jnp.float32),
        compiler_params=pltpu.CompilerParams(
            dimension_semantics=("parallel",)),
    )(inp2, e0, e1, e2, p0b, p1b, p2b)


def kernel(inp, w0, w1, w2, p0, p1, p2):
    inp_flat = inp.reshape(-1)
    i0 = jnp.clip(inp_flat, 0, CUT0 - 1)
    i1 = jnp.clip(inp_flat, CUT0, CUT1 - 1) - CUT0
    i2 = ((jnp.clip(inp_flat, CUT1, CUT2 - 1) - CUT1) >> 1).reshape(-1)
    i0q = (i0[:, None] * SPLIT0 + jnp.arange(SPLIT0, dtype=jnp.int32)
           ).reshape(-1)
    i1d = (i1[:, None] * SPLIT1 + jnp.arange(SPLIT1, dtype=jnp.int32)
           ).reshape(-1)

    e0, e1, e2 = _sc_gather(w0, w1, w2, i0q, i1d, i2)
    e0 = e0.reshape(N_TOK_TOTAL, D0)
    e1 = e1.reshape(N_TOK_TOTAL, D1)

    inp2 = inp_flat.reshape(-1, 1)
    out = _tc_project(inp2, e0, e1, e2,
                      p0.astype(jnp.bfloat16),
                      p1.astype(jnp.bfloat16),
                      p2.astype(jnp.bfloat16))
    return out.reshape(inp.shape + (D_PROJ,))

# --- scband reference (transcript-rebuilt; emitter-appended) ---
"""Pipeline reference for scband-adaptive-embedding-85839216378240 (READ-ONLY COPY).

The authoritative reference and input builder live on the scoring server;
editing this copy changes nothing except your own understanding.
"""

import jax, jax.numpy as jnp
import numpy as np

N_TOKEN = 100000
D_EMBED = 1024
D_PROJ = 1024
DIV_VAL = 4
CUTOFF_ENDS = [0, 20000, 60000, 100000]
EMB_DIMS = [D_EMBED // DIV_VAL ** i for i in range(3)]  # [1024, 256, 64]


def setup_inputs(seed: int = 0) -> dict:
    key = jax.random.key(seed)
    ks = jax.random.split(key, 8)
    inp = jax.random.randint(ks[0], (4, 2048), 0, N_TOKEN).astype(jnp.int32)
    out = {"inp": inp}
    for i in range(3):
        rows = CUTOFF_ENDS[i + 1] - CUTOFF_ENDS[i]
        d_i = EMB_DIMS[i]
        out[f"w{i}"] = jax.random.normal(ks[1 + i], (rows, d_i), dtype=jnp.float32) * 0.02
        # div_val != 1 and proj_same_dim=True -> projection for every cluster
        out[f"p{i}"] = jax.random.normal(ks[4 + i], (d_i, D_PROJ), dtype=jnp.float32) * 0.02
    return out


def reference(inp, w0, w1, w2, p0, p1, p2):
    ws = [w0, w1, w2]
    ps = [p0, p1, p2]
    inp_flat = inp.reshape(-1)
    emb_flat = jnp.zeros((inp_flat.shape[0], D_PROJ), dtype=jnp.float32)
    for i in range(3):
        l_idx, r_idx = CUTOFF_ENDS[i], CUTOFF_ENDS[i + 1]
        mask_i = (inp_flat >= l_idx) & (inp_flat < r_idx)
        inp_i = jnp.minimum(inp_flat, r_idx - 1)
        inp_i = jnp.maximum(inp_i - l_idx, 0)
        emb_i = jnp.take(ws[i], inp_i, axis=0)
        emb_i = jnp.einsum('id,de->ie', emb_i, ps[i])
        emb_flat = jnp.where(mask_i[:, None], emb_i, emb_flat)
    embed = emb_flat.reshape(inp.shape + (D_PROJ,))
    embed = embed * (D_PROJ ** 0.5)
    return embed

if __name__ == "__main__":
    import jax
    _d = setup_inputs()
    print(jax.jit(kernel)(*tuple(_d.values())))

</pallas_src>

<mosaic_0001>
#map = affine_map<(d0, d1) -> (0, 0)>
#map1 = affine_map<(d0, d1) -> (0)>
module attributes {stable_mosaic.version = 14 : i64} {
  func.func @gather_kernel(%arg0: i32, %arg1: i32, %arg2: memref<80000x256xf32, #tpu.memory_space<hbm>>, %arg3: memref<8192x128xf32, #tpu.memory_space<hbm>>, %arg4: memref<80000x128xf32, #tpu.memory_space<hbm>>, %arg5: memref<32768xi32, #tpu.memory_space<hbm>>, %arg6: memref<16384xi32, #tpu.memory_space<hbm>>, %arg7: memref<8192xi32, #tpu.memory_space<hbm>>, %arg8: memref<32768x256xf32, #tpu.memory_space<hbm>>, %arg9: memref<16384x128xf32, #tpu.memory_space<hbm>>, %arg10: memref<8192x128xf32, #tpu.memory_space<hbm>>, %arg11: memref<1024xi32, #tpu.memory_space<vmem>>, %arg12: memref<512xi32, #tpu.memory_space<vmem>>, %arg13: memref<256xi32, #tpu.memory_space<vmem>>, %arg14: memref<128x256xf32, #tpu.memory_space<vmem>>, %arg15: memref<128x256xf32, #tpu.memory_space<vmem>>, %arg16: memref<128x128xf32, #tpu.memory_space<vmem>>, %arg17: memref<128x128xf32, #tpu.memory_space<vmem>>, %arg18: memref<64x128xf32, #tpu.memory_space<vmem>>, %arg19: memref<64x128xf32, #tpu.memory_space<vmem>>, %arg20: memref<!tpu.dma_semaphore, #tpu.memory_space<semaphore_mem>>, %arg21: memref<!tpu.dma_semaphore, #tpu.memory_space<semaphore_mem>>, %arg22: memref<!tpu.dma_semaphore, #tpu.memory_space<semaphore_mem>>, %arg23: memref<!tpu.dma_semaphore, #tpu.memory_space<semaphore_mem>>) attributes {dimension_semantics = [#tpu.dimension_semantics<core_parallel>, #tpu.dimension_semantics<subcore_parallel>], iteration_bounds = array<i64: 2, 16>, scalar_prefetch = 0 : i64, scratch_operands = 13 : i64, tpu.core_type = #tpu.core_type<sc_vector_subcore>, window_params = [{transform_indices = #map}, {transform_indices = #map}, {transform_indices = #map}, {transform_indices = #map1}, {transform_indices = #map1}, {transform_indices = #map1}, {transform_indices = #map}, {transform_indices = #map}, {transform_indices = #map}]} {
    %mul3A = arith.constant 2 : i32
    %mul3A_0 = arith.muli %arg1, %mul3A : i32
    %add3A = arith.addi %mul3A_0, %arg0 : i32
    %mul3A_1 = arith.constant 1024 : i32
    %mul3A_2 = arith.muli %add3A, %mul3A_1 : i32
    "tpu.region"() ({
      %run_scoped3A = tpu.sem_alloc : memref<!tpu.dma_semaphore, #tpu.memory_space<semaphore_mem>>
      %dma_start3A_325 = tpu.memref_slice %arg5[%mul3A_2] : memref<32768xi32, #tpu.memory_space<hbm>> -> memref<1024xi32, #tpu.memory_space<hbm>>
      %dma_start3A_326 = tpu.memref_slice %arg5[%mul3A_2] : memref<32768xi32, #tpu.memory_space<hbm>> -> memref<1024xi32, #tpu.memory_space<hbm>>
      tpu.enqueue_dma source(%dma_start3A_326 : memref<1024xi32, #tpu.memory_space<hbm>>) target(%arg11 : memref<1024xi32, #tpu.memory_space<vmem>>) target_semaphore(%run_scoped3A : memref<!tpu.dma_semaphore, #tpu.memory_space<semaphore_mem>>)
      %dma_wait3A_327 = tpu.memref_slice %arg5[%mul3A_2] : memref<32768xi32, #tpu.memory_space<hbm>> -> memref<1024xi32, #tpu.memory_space<hbm>>
      %dma_wait3A_328 = tpu.memref_slice %arg5[%mul3A_2] : memref<32768xi32, #tpu.memory_space<hbm>> -> memref<1024xi32, #tpu.memory_space<hbm>>
      tpu.wait_dma2 semaphore(%run_scoped3A : memref<!tpu.dma_semaphore, #tpu.memory_space<semaphore_mem>>) src(%dma_wait3A_328 : memref<1024xi32, #tpu.memory_space<hbm>>) dst(%arg11 : memref<1024xi32, #tpu.memory_space<vmem>>)
      tpu.yield
    }) : () -> ()
    %dma_start3A = arith.constant 0 : i32
    %dma_start3A_3 = tpu.memref_slice %arg11[%dma_start3A] : memref<1024xi32, #tpu.memory_space<vmem>> -> memref<128xi32, #tpu.memory_space<vmem>>
    %dma_start3A_4 = arith.constant 0 : i32
    %dma_start3A_5 = arith.constant 0 : i32
    %dma_start3A_6 = tpu.memref_slice %arg2[%dma_start3A_4, %dma_start3A_5] : memref<80000x256xf32, #tpu.memory_space<hbm>> -> memref<80000x256xf32, #tpu.memory_space<hbm>>
    tpu.enqueue_indirect_dma source(%dma_start3A_6 : memref<80000x256xf32, #tpu.memory_space<hbm>>) target(%arg14 : memref<128x256xf32, #tpu.memory_space<vmem>>) offsets(%dma_start3A_3 : memref<128xi32, #tpu.memory_space<vmem>>) semaphore(%arg20 : memref<!tpu.dma_semaphore, #tpu.memory_space<semaphore_mem>>)
    %dma_start3A_7 = arith.constant 128 : i32
    %dma_start3A_8 = tpu.memref_slice %arg11[%dma_start3A_7] : memref<1024xi32, #tpu.memory_space<vmem>> -> memref<128xi32, #tpu.memory_space<vmem>>
    %dma_start3A_9 = arith.constant 0 : i32
    %dma_start3A_10 = arith.constant 0 : i32
    %dma_start3A_11 = tpu.memref_slice %arg2[%dma_start3A_9, %dma_start3A_10] : memref<80000x256xf32, #tpu.memory_space<hbm>> -> memref<80000x256xf32, #tpu.memory_space<hbm>>
    tpu.enqueue_indirect_dma source(%dma_start3A_11 : memref<80000x256xf32, #tpu.memory_space<hbm>>) target(%arg15 : memref<128x256xf32, #tpu.memory_space<vmem>>) offsets(%dma_start3A_8 : memref<128xi32, #tpu.memory_space<vmem>>) semaphore(%arg21 : memref<!tpu.dma_semaphore, #tpu.memory_space<semaphore_mem>>)
    %dma_wait3A = arith.constant 0 : i32
    %dma_wait3A_12 = tpu.memref_slice %arg11[%dma_wait3A] : memref<1024xi32, #tpu.memory_space<vmem>> -> memref<128xi32, #tpu.memory_space<vmem>>
    %dma_wait3A_13 = arith.constant 0 : i32
    %dma_wait3A_14 = arith.constant 0 : i32
    %dma_wait3A_15 = tpu.memref_slice %arg2[%dma_wait3A_13, %dma_wait3A_14] : memref<80000x256xf32, #tpu.memory_space<hbm>> -> memref<80000x256xf32, #tpu.memory_space<hbm>>
    tpu.wait_indirect_dma semaphore(%arg20 : memref<!tpu.dma_semaphore, #tpu.memory_space<semaphore_mem>>) src(%dma_wait3A_15 : memref<80000x256xf32, #tpu.memory_space<hbm>>) dst(%arg14 : memref<128x256xf32, #tpu.memory_space<vmem>>)
    %add3A_16 = arith.constant 0 : i32
    %add3A_17 = arith.addi %mul3A_2, %add3A_16 : i32
    %dma_start3A_18 = arith.constant 0 : i32
    %dma_start3A_19 = tpu.memref_slice %arg8[%add3A_17, %dma_start3A_18] : memref<32768x256xf32, #tpu.memory_space<hbm>> -> memref<128x256xf32, #tpu.memory_space<hbm>>
    %dma_start3A_20 = arith.constant 0 : i32
    %dma_start3A_21 = tpu.memref_slice %arg8[%add3A_17, %dma_start3A_20] : memref<32768x256xf32, #tpu.memory_space<hbm>> -> memref<128x256xf32, #tpu.memory_space<hbm>>
    tpu.enqueue_dma source(%arg14 : memref<128x256xf32, #tpu.memory_space<vmem>>) target(%dma_start3A_21 : memref<128x256xf32, #tpu.memory_space<hbm>>) target_semaphore(%arg22 : memref<!tpu.dma_semaphore, #tpu.memory_space<semaphore_mem>>)
    %dma_wait3A_22 = arith.constant 0 : i32
    %dma_wait3A_23 = tpu.memref_slice %arg8[%add3A_17, %dma_wait3A_22] : memref<32768x256xf32, #tpu.memory_space<hbm>> -> memref<128x256xf32, #tpu.memory_space<hbm>>
    %dma_wait3A_24 = arith.constant 0 : i32
    %dma_wait3A_25 = tpu.memref_slice %arg8[%add3A_17, %dma_wait3A_24] : memref<32768x256xf32, #tpu.memory_space<hbm>> -> memref<128x256xf32, #tpu.memory_space<hbm>>
    tpu.wait_dma2 semaphore(%arg22 : memref<!tpu.dma_semaphore, #tpu.memory_space<semaphore_mem>>) src(%arg14 : memref<128x256xf32, #tpu.memory_space<vmem>>) dst(%dma_wait3A_25 : memref<128x256xf32, #tpu.memory_space<hbm>>)
    %dma_start3A_26 = arith.constant 256 : i32
    %dma_start3A_27 = tpu.memref_slice %arg11[%dma_start3A_26] : memref<1024xi32, #tpu.memory_space<vmem>> -> memref<128xi32, #tpu.memory_space<vmem>>
    %dma_start3A_28 = arith.constant 0 : i32
    %dma_start3A_29 = arith.constant 0 : i32
    %dma_start3A_30 = tpu.memref_slice %arg2[%dma_start3A_28, %dma_start3A_29] : memref<80000x256xf32, #tpu.memory_space<hbm>> -> memref<80000x256xf32, #tpu.memory_space<hbm>>
    tpu.enqueue_indirect_dma source(%dma_start3A_30 : memref<80000x256xf32, #tpu.memory_space<hbm>>) target(%arg14 : memref<128x256xf32, #tpu.memory_space<vmem>>) offsets(%dma_start3A_27 : memref<128xi32, #tpu.memory_space<vmem>>) semaphore(%arg20 : memref<!tpu.dma_semaphore, #tpu.memory_space<semaphore_mem>>)
    %dma_wait3A_31 = arith.constant 128 : i32
    %dma_wait3A_32 = tpu.memref_slice %arg11[%dma_wait3A_31] : memref<1024xi32, #tpu.memory_space<vmem>> -> memref<128xi32, #tpu.memory_space<vmem>>
    %dma_wait3A_33 = arith.constant 0 : i32
    %dma_wait3A_34 = arith.constant 0 : i32
    %dma_wait3A_35 = tpu.memref_slice %arg2[%dma_wait3A_33, %dma_wait3A_34] : memref<80000x256xf32, #tpu.memory_space<hbm>> -> memref<80000x256xf32, #tpu.memory_space<hbm>>
    tpu.wait_indirect_dma semaphore(%arg21 : memref<!tpu.dma_semaphore, #tpu.memory_space<semaphore_mem>>) src(%dma_wait3A_35 : memref<80000x256xf32, #tpu.memory_space<hbm>>) dst(%arg15 : memref<128x256xf32, #tpu.memory_space<vmem>>)
    %add3A_36 = arith.constant 128 : i32
    %add3A_37 = arith.addi %mul3A_2, %add3A_36 : i32
    %dma_start3A_38 = arith.constant 0 : i32
    %dma_start3A_39 = tpu.memref_slice %arg8[%add3A_37, %dma_start3A_38] : memref<32768x256xf32, #tpu.memory_space<hbm>> -> memref<128x256xf32, #tpu.memory_space<hbm>>
    %dma_start3A_40 = arith.constant 0 : i32
    %dma_start3A_41 = tpu.memref_slice %arg8[%add3A_37, %dma_start3A_40] : memref<32768x256xf32, #tpu.memory_space<hbm>> -> memref<128x256xf32, #tpu.memory_space<hbm>>
    tpu.enqueue_dma source(%arg15 : memref<128x256xf32, #tpu.memory_space<vmem>>) target(%dma_start3A_41 : memref<128x256xf32, #tpu.memory_space<hbm>>) target_semaphore(%arg23 : memref<!tpu.dma_semaphore, #tpu.memory_space<semaphore_mem>>)
    %dma_wait3A_42 = arith.constant 0 : i32
    %dma_wait3A_43 = tpu.memref_slice %arg8[%add3A_37, %dma_wait3A_42] : memref<32768x256xf32, #tpu.memory_space<hbm>> -> memref<128x256xf32, #tpu.memory_space<hbm>>
    %dma_wait3A_44 = arith.constant 0 : i32
    %dma_wait3A_45 = tpu.memref_slice %arg8[%add3A_37, %dma_wait3A_44] : memref<32768x256xf32, #tpu.memory_space<hbm>> -> memref<128x256xf32, #tpu.memory_space<hbm>>
    tpu.wait_dma2 semaphore(%arg23 : memref<!tpu.dma_semaphore, #tpu.memory_space<semaphore_mem>>) src(%arg15 : memref<128x256xf32, #tpu.memory_space<vmem>>) dst(%dma_wait3A_45 : memref<128x256xf32, #tpu.memory_space<hbm>>)
    %dma_start3A_46 = arith.constant 384 : i32
    %dma_start3A_47 = tpu.memref_slice %arg11[%dma_start3A_46] : memref<1024xi32, #tpu.memory_space<vmem>> -> memref<128xi32, #tpu.memory_space<vmem>>
    %dma_start3A_48 = arith.constant 0 : i32
    %dma_start3A_49 = arith.constant 0 : i32
    %dma_start3A_50 = tpu.memref_slice %arg2[%dma_start3A_48, %dma_start3A_49] : memref<80000x256xf32, #tpu.memory_space<hbm>> -> memref<80000x256xf32, #tpu.memory_space<hbm>>
    tpu.enqueue_indirect_dma source(%dma_start3A_50 : memref<80000x256xf32, #tpu.memory_space<hbm>>) target(%arg15 : memref<128x256xf32, #tpu.memory_space<vmem>>) offsets(%dma_start3A_47 : memref<128xi32, #tpu.memory_space<vmem>>) semaphore(%arg21 : memref<!tpu.dma_semaphore, #tpu.memory_space<semaphore_mem>>)
    %dma_wait3A_51 = arith.constant 256 : i32
    %dma_wait3A_52 = tpu.memref_slice %arg11[%dma_wait3A_51] : memref<1024xi32, #tpu.memory_space<vmem>> -> memref<128xi32, #tpu.memory_space<vmem>>
    %dma_wait3A_53 = arith.constant 0 : i32
    %dma_wait3A_54 = arith.constant 0 : i32
    %dma_wait3A_55 = tpu.memref_slice %arg2[%dma_wait3A_53, %dma_wait3A_54] : memref<80000x256xf32, #tpu.memory_space<hbm>> -> memref<80000x256xf32, #tpu.memory_space<hbm>>
    tpu.wait_indirect_dma semaphore(%arg20 : memref<!tpu.dma_semaphore, #tpu.memory_space<semaphore_mem>>) src(%dma_wait3A_55 : memref<80000x256xf32, #tpu.memory_space<hbm>>) dst(%arg14 : memref<128x256xf32, #tpu.memory_space<vmem>>)
    %add3A_56 = arith.constant 256 : i32
    %add3A_57 = arith.addi %mul3A_2, %add3A_56 : i32
    %dma_start3A_58 = arith.constant 0 : i32
    %dma_start3A_59 = tpu.memref_slice %arg8[%add3A_57, %dma_start3A_58] : memref<32768x256xf32, #tpu.memory_space<hbm>> -> memref<128x256xf32, #tpu.memory_space<hbm>>
    %dma_start3A_60 = arith.constant 0 : i32
    %dma_start3A_61 = tpu.memref_slice %arg8[%add3A_57, %dma_start3A_60] : memref<32768x256xf32, #tpu.memory_space<hbm>> -> memref<128x256xf32, #tpu.memory_space<hbm>>
    tpu.enqueue_dma source(%arg14 : memref<128x256xf32, #tpu.memory_space<vmem>>) target(%dma_start3A_61 : memref<128x256xf32, #tpu.memory_space<hbm>>) target_semaphore(%arg22 : memref<!tpu.dma_semaphore, #tpu.memory_space<semaphore_mem>>)
    %dma_wait3A_62 = arith.constant 0 : i32
    %dma_wait3A_63 = tpu.memref_slice %arg8[%add3A_57, %dma_wait3A_62] : memref<32768x256xf32, #tpu.memory_space<hbm>> -> memref<128x256xf32, #tpu.memory_space<hbm>>
    %dma_wait3A_64 = arith.constant 0 : i32
    %dma_wait3A_65 = tpu.memref_slice %arg8[%add3A_57, %dma_wait3A_64] : memref<32768x256xf32, #tpu.memory_space<hbm>> -> memref<128x256xf32, #tpu.memory_space<hbm>>
    tpu.wait_dma2 semaphore(%arg22 : memref<!tpu.dma_semaphore, #tpu.memory_space<semaphore_mem>>) src(%arg14 : memref<128x256xf32, #tpu.memory_space<vmem>>) dst(%dma_wait3A_65 : memref<128x256xf32, #tpu.memory_space<hbm>>)
    %dma_start3A_66 = arith.constant 512 : i32
    %dma_start3A_67 = tpu.memref_slice %arg11[%dma_start3A_66] : memref<1024xi32, #tpu.memory_space<vmem>> -> memref<128xi32, #tpu.memory_space<vmem>>
    %dma_start3A_68 = arith.constant 0 : i32
    %dma_start3A_69 = arith.constant 0 : i32
    %dma_start3A_70 = tpu.memref_slice %arg2[%dma_start3A_68, %dma_start3A_69] : memref<80000x256xf32, #tpu.memory_space<hbm>> -> memref<80000x256xf32, #tpu.memory_space<hbm>>
    tpu.enqueue_indirect_dma source(%dma_start3A_70 : memref<80000x256xf32, #tpu.memory_space<hbm>>) target(%arg14 : memref<128x256xf32, #tpu.memory_space<vmem>>) offsets(%dma_start3A_67 : memref<128xi32, #tpu.memory_space<vmem>>) semaphore(%arg20 : memref<!tpu.dma_semaphore, #tpu.memory_space<semaphore_mem>>)
    %dma_wait3A_71 = arith.constant 384 : i32
    %dma_wait3A_72 = tpu.memref_slice %arg11[%dma_wait3A_71] : memref<1024xi32, #tpu.memory_space<vmem>> -> memref<128xi32, #tpu.memory_space<vmem>>
    %dma_wait3A_73 = arith.constant 0 : i32
    %dma_wait3A_74 = arith.constant 0 : i32
    %dma_wait3A_75 = tpu.memref_slice %arg2[%dma_wait3A_73, %dma_wait3A_74] : memref<80000x256xf32, #tpu.memory_space<hbm>> -> memref<80000x256xf32, #tpu.memory_space<hbm>>
    tpu.wait_indirect_dma semaphore(%arg21 : memref<!tpu.dma_semaphore, #tpu.memory_space<semaphore_mem>>) src(%dma_wait3A_75 : memref<80000x256xf32, #tpu.memory_space<hbm>>) dst(%arg15 : memref<128x256xf32, #tpu.memory_space<vmem>>)
    %add3A_76 = arith.constant 384 : i32
    %add3A_77 = arith.addi %mul3A_2, %add3A_76 : i32
    %dma_start3A_78 = arith.constant 0 : i32
    %dma_start3A_79 = tpu.memref_slice %arg8[%add3A_77, %dma_start3A_78] : memref<32768x256xf32, #tpu.memory_space<hbm>> -> memref<128x256xf32, #tpu.memory_space<hbm>>
    %dma_start3A_80 = arith.constant 0 : i32
    %dma_start3A_81 = tpu.memref_slice %arg8[%add3A_77, %dma_start3A_80] : memref<32768x256xf32, #tpu.memory_space<hbm>> -> memref<128x256xf32, #tpu.memory_space<hbm>>
    tpu.enqueue_dma source(%arg15 : memref<128x256xf32, #tpu.memory_space<vmem>>) target(%dma_start3A_81 : memref<128x256xf32, #tpu.memory_space<hbm>>) target_semaphore(%arg23 : memref<!tpu.dma_semaphore, #tpu.memory_space<semaphore_mem>>)
    %dma_wait3A_82 = arith.constant 0 : i32
    %dma_wait3A_83 = tpu.memref_slice %arg8[%add3A_77, %dma_wait3A_82] : memref<32768x256xf32, #tpu.memory_space<hbm>> -> memref<128x256xf32, #tpu.memory_space<hbm>>
    %dma_wait3A_84 = arith.constant 0 : i32
    %dma_wait3A_85 = tpu.memref_slice %arg8[%add3A_77, %dma_wait3A_84] : memref<32768x256xf32, #tpu.memory_space<hbm>> -> memref<128x256xf32, #tpu.memory_space<hbm>>
    tpu.wait_dma2 semaphore(%arg23 : memref<!tpu.dma_semaphore, #tpu.memory_space<semaphore_mem>>) src(%arg15 : memref<128x256xf32, #tpu.memory_space<vmem>>) dst(%dma_wait3A_85 : memref<128x256xf32, #tpu.memory_space<hbm>>)
    %dma_start3A_86 = arith.constant 640 : i32
    %dma_start3A_87 = tpu.memref_slice %arg11[%dma_start3A_86] : memref<1024xi32, #tpu.memory_space<vmem>> -> memref<128xi32, #tpu.memory_space<vmem>>
    %dma_start3A_88 = arith.constant 0 : i32
    %dma_start3A_89 = arith.constant 0 : i32
    %dma_start3A_90 = tpu.memref_slice %arg2[%dma_start3A_88, %dma_start3A_89] : memref<80000x256xf32, #tpu.memory_space<hbm>> -> memref<80000x256xf32, #tpu.memory_space<hbm>>
    tpu.enqueue_indirect_dma source(%dma_start3A_90 : memref<80000x256xf32, #tpu.memory_space<hbm>>) target(%arg15 : memref<128x256xf32, #tpu.memory_space<vmem>>) offsets(%dma_start3A_87 : memref<128xi32, #tpu.memory_space<vmem>>) semaphore(%arg21 : memref<!tpu.dma_semaphore, #tpu.memory_space<semaphore_mem>>)
    %dma_wait3A_91 = arith.constant 512 : i32
    %dma_wait3A_92 = tpu.memref_slice %arg11[%dma_wait3A_91] : memref<1024xi32, #tpu.memory_space<vmem>> -> memref<128xi32, #tpu.memory_space<vmem>>
    %dma_wait3A_93 = arith.constant 0 : i32
    %dma_wait3A_94 = arith.constant 0 : i32
    %dma_wait3A_95 = tpu.memref_slice %arg2[%dma_wait3A_93, %dma_wait3A_94] : memref<80000x256xf32, #tpu.memory_space<hbm>> -> memref<80000x256xf32, #tpu.memory_space<hbm>>
    tpu.wait_indirect_dma semaphore(%arg20 : memref<!tpu.dma_semaphore, #tpu.memory_space<semaphore_mem>>) src(%dma_wait3A_95 : memref<80000x256xf32, #tpu.memory_space<hbm>>) dst(%arg14 : memref<128x256xf32, #tpu.memory_space<vmem>>)
    %add3A_96 = arith.constant 512 : i32
    %add3A_97 = arith.addi %mul3A_2, %add3A_96 : i32
    %dma_start3A_98 = arith.constant 0 : i32
    %dma_start3A_99 = tpu.memref_slice %arg8[%add3A_97, %dma_start3A_98] : memref<32768x256xf32, #tpu.memory_space<hbm>> -> memref<128x256xf32, #tpu.memory_space<hbm>>
    %dma_start3A_100 = arith.constant 0 : i32
    %dma_start3A_101 = tpu.memref_slice %arg8[%add3A_97, %dma_start3A_100] : memref<32768x256xf32, #tpu.memory_space<hbm>> -> memref<128x256xf32, #tpu.memory_space<hbm>>
    tpu.enqueue_dma source(%arg14 : memref<128x256xf32, #tpu.memory_space<vmem>>) target(%dma_start3A_101 : memref<128x256xf32, #tpu.memory_space<hbm>>) target_semaphore(%arg22 : memref<!tpu.dma_semaphore, #tpu.memory_space<semaphore_mem>>)
    %dma_wait3A_102 = arith.constant 0 : i32
    %dma_wait3A_103 = tpu.memref_slice %arg8[%add3A_97, %dma_wait3A_102] : memref<32768x256xf32, #tpu.memory_space<hbm>> -> memref<128x256xf32, #tpu.memory_space<hbm>>
    %dma_wait3A_104 = arith.constant 0 : i32
    %dma_wait3A_105 = tpu.memref_slice %arg8[%add3A_97, %dma_wait3A_104] : memref<32768x256xf32, #tpu.memory_space<hbm>> -> memref<128x256xf32, #tpu.memory_space<hbm>>
    tpu.wait_dma2 semaphore(%arg22 : memref<!tpu.dma_semaphore, #tpu.memory_space<semaphore_mem>>) src(%arg14 : memref<128x256xf32, #tpu.memory_space<vmem>>) dst(%dma_wait3A_105 : memref<128x256xf32, #tpu.memory_space<hbm>>)
    %dma_start3A_106 = arith.constant 768 : i32
    %dma_start3A_107 = tpu.memref_slice %arg11[%dma_start3A_106] : memref<1024xi32, #tpu.memory_space<vmem>> -> memref<128xi32, #tpu.memory_space<vmem>>
    %dma_start3A_108 = arith.constant 0 : i32
    %dma_start3A_109 = arith.constant 0 : i32
    %dma_start3A_110 = tpu.memref_slice %arg2[%dma_start3A_108, %dma_start3A_109] : memref<80000x256xf32, #tpu.memory_space<hbm>> -> memref<80000x256xf32, #tpu.memory_space<hbm>>
    tpu.enqueue_indirect_dma source(%dma_start3A_110 : memref<80000x256xf32, #tpu.memory_space<hbm>>) target(%arg14 : memref<128x256xf32, #tpu.memory_space<vmem>>) offsets(%dma_start3A_107 : memref<128xi32, #tpu.memory_space<vmem>>) semaphore(%arg20 : memref<!tpu.dma_semaphore, #tpu.memory_space<semaphore_mem>>)
    %dma_wait3A_111 = arith.constant 640 : i32
    %dma_wait3A_112 = tpu.memref_slice %arg11[%dma_wait3A_111] : memref<1024xi32, #tpu.memory_space<vmem>> -> memref<128xi32, #tpu.memory_space<vmem>>
    %dma_wait3A_113 = arith.constant 0 : i32
    %dma_wait3A_114 = arith.constant 0 : i32
    %dma_wait3A_115 = tpu.memref_slice %arg2[%dma_wait3A_113, %dma_wait3A_114] : memref<80000x256xf32, #tpu.memory_space<hbm>> -> memref<80000x256xf32, #tpu.memory_space<hbm>>
    tpu.wait_indirect_dma semaphore(%arg21 : memref<!tpu.dma_semaphore, #tpu.memory_space<semaphore_mem>>) src(%dma_wait3A_115 : memref<80000x256xf32, #tpu.memory_space<hbm>>) dst(%arg15 : memref<128x256xf32, #tpu.memory_space<vmem>>)
    %add3A_116 = arith.constant 640 : i32
    %add3A_117 = arith.addi %mul3A_2, %add3A_116 : i32
    %dma_start3A_118 = arith.constant 0 : i32
    %dma_start3A_119 = tpu.memref_slice %arg8[%add3A_117, %dma_start3A_118] : memref<32768x256xf32, #tpu.memory_space<hbm>> -> memref<128x256xf32, #tpu.memory_space<hbm>>
    %dma_start3A_120 = arith.constant 0 : i32
    %dma_start3A_121 = tpu.memref_slice %arg8[%add3A_117, %dma_start3A_120] : memref<32768x256xf32, #tpu.memory_space<hbm>> -> memref<128x256xf32, #tpu.memory_space<hbm>>
    tpu.enqueue_dma source(%arg15 : memref<128x256xf32, #tpu.memory_space<vmem>>) target(%dma_start3A_121 : memref<128x256xf32, #tpu.memory_space<hbm>>) target_semaphore(%arg23 : memref<!tpu.dma_semaphore, #tpu.memory_space<semaphore_mem>>)
    %dma_wait3A_122 = arith.constant 0 : i32
    %dma_wait3A_123 = tpu.memref_slice %arg8[%add3A_117, %dma_wait3A_122] : memref<32768x256xf32, #tpu.memory_space<hbm>> -> memref<128x256xf32, #tpu.memory_space<hbm>>
    %dma_wait3A_124 = arith.constant 0 : i32
    %dma_wait3A_125 = tpu.memref_slice %arg8[%add3A_117, %dma_wait3A_124] : memref<32768x256xf32, #tpu.memory_space<hbm>> -> memref<128x256xf32, #tpu.memory_space<hbm>>
    tpu.wait_dma2 semaphore(%arg23 : memref<!tpu.dma_semaphore, #tpu.memory_space<semaphore_mem>>) src(%arg15 : memref<128x256xf32, #tpu.memory_space<vmem>>) dst(%dma_wait3A_125 : memref<128x256xf32, #tpu.memory_space<hbm>>)
    %dma_start3A_126 = arith.constant 896 : i32
    %dma_start3A_127 = tpu.memref_slice %arg11[%dma_start3A_126] : memref<1024xi32, #tpu.memory_space<vmem>> -> memref<128xi32, #tpu.memory_space<vmem>>
    %dma_start3A_128 = arith.constant 0 : i32
    %dma_start3A_129 = arith.constant 0 : i32
    %dma_start3A_130 = tpu.memref_slice %arg2[%dma_start3A_128, %dma_start3A_129] : memref<80000x256xf32, #tpu.memory_space<hbm>> -> memref<80000x256xf32, #tpu.memory_space<hbm>>
    tpu.enqueue_indirect_dma source(%dma_start3A_130 : memref<80000x256xf32, #tpu.memory_space<hbm>>) target(%arg15 : memref<128x256xf32, #tpu.memory_space<vmem>>) offsets(%dma_start3A_127 : memref<128xi32, #tpu.memory_space<vmem>>) semaphore(%arg21 : memref<!tpu.dma_semaphore, #tpu.memory_space<semaphore_mem>>)
    %dma_wait3A_131 = arith.constant 768 : i32
    %dma_wait3A_132 = tpu.memref_slice %arg11[%dma_wait3A_131] : memref<1024xi32, #tpu.memory_space<vmem>> -> memref<128xi32, #tpu.memory_space<vmem>>
    %dma_wait3A_133 = arith.constant 0 : i32
    %dma_wait3A_134 = arith.constant 0 : i32
    %dma_wait3A_135 = tpu.memref_slice %arg2[%dma_wait3A_133, %dma_wait3A_134] : memref<80000x256xf32, #tpu.memory_space<hbm>> -> memref<80000x256xf32, #tpu.memory_space<hbm>>
    tpu.wait_indirect_dma semaphore(%arg20 : memref<!tpu.dma_semaphore, #tpu.memory_space<semaphore_mem>>) src(%dma_wait3A_135 : memref<80000x256xf32, #tpu.memory_space<hbm>>) dst(%arg14 : memref<128x256xf32, #tpu.memory_space<vmem>>)
    %add3A_136 = arith.constant 768 : i32
    %add3A_137 = arith.addi %mul3A_2, %add3A_136 : i32
    %dma_start3A_138 = arith.constant 0 : i32
    %dma_start3A_139 = tpu.memref_slice %arg8[%add3A_137, %dma_start3A_138] : memref<32768x256xf32, #tpu.memory_space<hbm>> -> memref<128x256xf32, #tpu.memory_space<hbm>>
    %dma_start3A_140 = arith.constant 0 : i32
    %dma_start3A_141 = tpu.memref_slice %arg8[%add3A_137, %dma_start3A_140] : memref<32768x256xf32, #tpu.memory_space<hbm>> -> memref<128x256xf32, #tpu.memory_space<hbm>>
    tpu.enqueue_dma source(%arg14 : memref<128x256xf32, #tpu.memory_space<vmem>>) target(%dma_start3A_141 : memref<128x256xf32, #tpu.memory_space<hbm>>) target_semaphore(%arg22 : memref<!tpu.dma_semaphore, #tpu.memory_space<semaphore_mem>>)
    %dma_wait3A_142 = arith.constant 896 : i32
    %dma_wait3A_143 = tpu.memref_slice %arg11[%dma_wait3A_142] : memref<1024xi32, #tpu.memory_space<vmem>> -> memref<128xi32, #tpu.memory_space<vmem>>
    %dma_wait3A_144 = arith.constant 0 : i32
    %dma_wait3A_145 = arith.constant 0 : i32
    %dma_wait3A_146 = tpu.memref_slice %arg2[%dma_wait3A_144, %dma_wait3A_145] : memref<80000x256xf32, #tpu.memory_space<hbm>> -> memref<80000x256xf32, #tpu.memory_space<hbm>>
    tpu.wait_indirect_dma semaphore(%arg21 : memref<!tpu.dma_semaphore, #tpu.memory_space<semaphore_mem>>) src(%dma_wait3A_146 : memref<80000x256xf32, #tpu.memory_space<hbm>>) dst(%arg15 : memref<128x256xf32, #tpu.memory_space<vmem>>)
    %add3A_147 = arith.constant 896 : i32
    %add3A_148 = arith.addi %mul3A_2, %add3A_147 : i32
    %dma_start3A_149 = arith.constant 0 : i32
    %dma_start3A_150 = tpu.memref_slice %arg8[%add3A_148, %dma_start3A_149] : memref<32768x256xf32, #tpu.memory_space<hbm>> -> memref<128x256xf32, #tpu.memory_space<hbm>>
    %dma_start3A_151 = arith.constant 0 : i32
    %dma_start3A_152 = tpu.memref_slice %arg8[%add3A_148, %dma_start3A_151] : memref<32768x256xf32, #tpu.memory_space<hbm>> -> memref<128x256xf32, #tpu.memory_space<hbm>>
    tpu.enqueue_dma source(%arg15 : memref<128x256xf32, #tpu.memory_space<vmem>>) target(%dma_start3A_152 : memref<128x256xf32, #tpu.memory_space<hbm>>) target_semaphore(%arg23 : memref<!tpu.dma_semaphore, #tpu.memory_space<semaphore_mem>>)
    %dma_wait3A_153 = arith.constant 0 : i32
    %dma_wait3A_154 = tpu.memref_slice %arg8[%add3A_148, %dma_wait3A_153] : memref<32768x256xf32, #tpu.memory_space<hbm>> -> memref<128x256xf32, #tpu.memory_space<hbm>>
    %dma_wait3A_155 = arith.constant 0 : i32
    %dma_wait3A_156 = tpu.memref_slice %arg8[%add3A_148, %dma_wait3A_155] : memref<32768x256xf32, #tpu.memory_space<hbm>> -> memref<128x256xf32, #tpu.memory_space<hbm>>
    tpu.wait_dma2 semaphore(%arg23 : memref<!tpu.dma_semaphore, #tpu.memory_space<semaphore_mem>>) src(%arg15 : memref<128x256xf32, #tpu.memory_space<vmem>>) dst(%dma_wait3A_156 : memref<128x256xf32, #tpu.memory_space<hbm>>)
    %dma_wait3A_157 = arith.constant 0 : i32
    %dma_wait3A_158 = tpu.memref_slice %arg8[%add3A_137, %dma_wait3A_157] : memref<32768x256xf32, #tpu.memory_space<hbm>> -> memref<128x256xf32, #tpu.memory_space<hbm>>
    %dma_wait3A_159 = arith.constant 0 : i32
    %dma_wait3A_160 = tpu.memref_slice %arg8[%add3A_137, %dma_wait3A_159] : memref<32768x256xf32, #tpu.memory_space<hbm>> -> memref<128x256xf32, #tpu.memory_space<hbm>>
    tpu.wait_dma2 semaphore(%arg22 : memref<!tpu.dma_semaphore, #tpu.memory_space<semaphore_mem>>) src(%arg14 : memref<128x256xf32, #tpu.memory_space<vmem>>) dst(%dma_wait3A_160 : memref<128x256xf32, #tpu.memory_space<hbm>>)
    %mul3A_161 = arith.constant 512 : i32
    %mul3A_162 = arith.muli %add3A, %mul3A_161 : i32
    "tpu.region"() ({
      %run_scoped3A = tpu.sem_alloc : memref<!tpu.dma_semaphore, #tpu.memory_space<semaphore_mem>>
      %dma_start3A_325 = tpu.memref_slice %arg6[%mul3A_162] : memref<16384xi32, #tpu.memory_space<hbm>> -> memref<512xi32, #tpu.memory_space<hbm>>
      %dma_start3A_326 = tpu.memref_slice %arg6[%mul3A_162] : memref<16384xi32, #tpu.memory_space<hbm>> -> memref<512xi32, #tpu.memory_space<hbm>>
      tpu.enqueue_dma source(%dma_start3A_326 : memref<512xi32, #tpu.memory_space<hbm>>) target(%arg12 : memref<512xi32, #tpu.memory_space<vmem>>) target_semaphore(%run_scoped3A : memref<!tpu.dma_semaphore, #tpu.memory_space<semaphore_mem>>)
      %dma_wait3A_327 = tpu.memref_slice %arg6[%mul3A_162] : memref<16384xi32, #tpu.memory_space<hbm>> -> memref<512xi32, #tpu.memory_space<hbm>>
      %dma_wait3A_328 = tpu.memref_slice %arg6[%mul3A_162] : memref<16384xi32, #tpu.memory_space<hbm>> -> memref<512xi32, #tpu.memory_space<hbm>>
      tpu.wait_dma2 semaphore(%run_scoped3A : memref<!tpu.dma_semaphore, #tpu.memory_space<semaphore_mem>>) src(%dma_wait3A_328 : memref<512xi32, #tpu.memory_space<hbm>>) dst(%arg12 : memref<512xi32, #tpu.memory_space<vmem>>)
      tpu.yield
    }) : () -> ()
    %dma_start3A_163 = arith.constant 0 : i32
    %dma_start3A_164 = tpu.memref_slice %arg12[%dma_start3A_163] : memref<512xi32, #tpu.memory_space<vmem>> -> memref<128xi32, #tpu.memory_space<vmem>>
    %dma_start3A_165 = arith.constant 0 : i32
    %dma_start3A_166 = arith.constant 0 : i32
    %dma_start3A_167 = tpu.memref_slice %arg3[%dma_start3A_165, %dma_start3A_166] : memref<8192x128xf32, #tpu.memory_space<hbm>> -> memref<8192x128xf32, #tpu.memory_space<hbm>>
    tpu.enqueue_indirect_dma source(%dma_start3A_167 : memref<8192x128xf32, #tpu.memory_space<hbm>>) target(%arg16 : memref<128x128xf32, #tpu.memory_space<vmem>>) offsets(%dma_start3A_164 : memref<128xi32, #tpu.memory_space<vmem>>) semaphore(%arg20 : memref<!tpu.dma_semaphore, #tpu.memory_space<semaphore_mem>>)
    %dma_start3A_168 = arith.constant 128 : i32
    %dma_start3A_169 = tpu.memref_slice %arg12[%dma_start3A_168] : memref<512xi32, #tpu.memory_space<vmem>> -> memref<128xi32, #tpu.memory_space<vmem>>
    %dma_start3A_170 = arith.constant 0 : i32
    %dma_start3A_171 = arith.constant 0 : i32
    %dma_start3A_172 = tpu.memref_slice %arg3[%dma_start3A_170, %dma_start3A_171] : memref<8192x128xf32, #tpu.memory_space<hbm>> -> memref<8192x128xf32, #tpu.memory_space<hbm>>
    tpu.enqueue_indirect_dma source(%dma_start3A_172 : memref<8192x128xf32, #tpu.memory_space<hbm>>) target(%arg17 : memref<128x128xf32, #tpu.memory_space<vmem>>) offsets(%dma_start3A_169 : memref<128xi32, #tpu.memory_space<vmem>>) semaphore(%arg21 : memref<!tpu.dma_semaphore, #tpu.memory_space<semaphore_mem>>)
    %dma_wait3A_173 = arith.constant 0 : i32
    %dma_wait3A_174 = tpu.memref_slice %arg12[%dma_wait3A_173] : memref<512xi32, #tpu.memory_space<vmem>> -> memref<128xi32, #tpu.memory_space<vmem>>
    %dma_wait3A_175 = arith.constant 0 : i32
    %dma_wait3A_176 = arith.constant 0 : i32
    %dma_wait3A_177 = tpu.memref_slice %arg3[%dma_wait3A_175, %dma_wait3A_176] : memref<8192x128xf32, #tpu.memory_space<hbm>> -> memref<8192x128xf32, #tpu.memory_space<hbm>>
    tpu.wait_indirect_dma semaphore(%arg20 : memref<!tpu.dma_semaphore, #tpu.memory_space<semaphore_mem>>) src(%dma_wait3A_177 : memref<8192x128xf32, #tpu.memory_space<hbm>>) dst(%arg16 : memref<128x128xf32, #tpu.memory_space<vmem>>)
    %add3A_178 = arith.constant 0 : i32
    %add3A_179 = arith.addi %mul3A_162, %add3A_178 : i32
    %dma_start3A_180 = arith.constant 0 : i32
    %dma_start3A_181 = tpu.memref_slice %arg9[%add3A_179, %dma_start3A_180] : memref<16384x128xf32, #tpu.memory_space<hbm>> -> memref<128x128xf32, #tpu.memory_space<hbm>>
    %dma_start3A_182 = arith.constant 0 : i32
    %dma_start3A_183 = tpu.memref_slice %arg9[%add3A_179, %dma_start3A_182] : memref<16384x128xf32, #tpu.memory_space<hbm>> -> memref<128x128xf32, #tpu.memory_space<hbm>>
    tpu.enqueue_dma source(%arg16 : memref<128x128xf32, #tpu.memory_space<vmem>>) target(%dma_start3A_183 : memref<128x128xf32, #tpu.memory_space<hbm>>) target_semaphore(%arg22 : memref<!tpu.dma_semaphore, #tpu.memory_space<semaphore_mem>>)
    %dma_wait3A_184 = arith.constant 0 : i32
    %dma_wait3A_185 = tpu.memref_slice %arg9[%add3A_179, %dma_wait3A_184] : memref<16384x128xf32, #tpu.memory_space<hbm>> -> memref<128x128xf32, #tpu.memory_space<hbm>>
    %dma_wait3A_186 = arith.constant 0 : i32
    %dma_wait3A_187 = tpu.memref_slice %arg9[%add3A_179, %dma_wait3A_186] : memref<16384x128xf32, #tpu.memory_space<hbm>> -> memref<128x128xf32, #tpu.memory_space<hbm>>
    tpu.wait_dma2 semaphore(%arg22 : memref<!tpu.dma_semaphore, #tpu.memory_space<semaphore_mem>>) src(%arg16 : memref<128x128xf32, #tpu.memory_space<vmem>>) dst(%dma_wait3A_187 : memref<128x128xf32, #tpu.memory_space<hbm>>)
    %dma_start3A_188 = arith.constant 256 : i32
    %dma_start3A_189 = tpu.memref_slice %arg12[%dma_start3A_188] : memref<512xi32, #tpu.memory_space<vmem>> -> memref<128xi32, #tpu.memory_space<vmem>>
    %dma_start3A_190 = arith.constant 0 : i32
    %dma_start3A_191 = arith.constant 0 : i32
    %dma_start3A_192 = tpu.memref_slice %arg3[%dma_start3A_190, %dma_start3A_191] : memref<8192x128xf32, #tpu.memory_space<hbm>> -> memref<8192x128xf32, #tpu.memory_space<hbm>>
    tpu.enqueue_indirect_dma source(%dma_start3A_192 : memref<8192x128xf32, #tpu.memory_space<hbm>>) target(%arg16 : memref<128x128xf32, #tpu.memory_space<vmem>>) offsets(%dma_start3A_189 : memref<128xi32, #tpu.memory_space<vmem>>) semaphore(%arg20 : memref<!tpu.dma_semaphore, #tpu.memory_space<semaphore_mem>>)
    %dma_wait3A_193 = arith.constant 128 : i32
    %dma_wait3A_194 = tpu.memref_slice %arg12[%dma_wait3A_193] : memref<512xi32, #tpu.memory_space<vmem>> -> memref<128xi32, #tpu.memory_space<vmem>>
    %dma_wait3A_195 = arith.constant 0 : i32
    %dma_wait3A_196 = arith.constant 0 : i32
    %dma_wait3A_197 = tpu.memref_slice %arg3[%dma_wait3A_195, %dma_wait3A_196] : memref<8192x128xf32, #tpu.memory_space<hbm>> -> memref<8192x128xf32, #tpu.memory_space<hbm>>
    tpu.wait_indirect_dma semaphore(%arg21 : memref<!tpu.dma_semaphore, #tpu.memory_space<semaphore_mem>>) src(%dma_wait3A_197 : memref<8192x128xf32, #tpu.memory_space<hbm>>) dst(%arg17 : memref<128x128xf32, #tpu.memory_space<vmem>>)
    %add3A_198 = arith.constant 128 : i32
    %add3A_199 = arith.addi %mul3A_162, %add3A_198 : i32
    %dma_start3A_200 = arith.constant 0 : i32
    %dma_start3A_201 = tpu.memref_slice %arg9[%add3A_199, %dma_start3A_200] : memref<16384x128xf32, #tpu.memory_space<hbm>> -> memref<128x128xf32, #tpu.memory_space<hbm>>
    %dma_start3A_202 = arith.constant 0 : i32
    %dma_start3A_203 = tpu.memref_slice %arg9[%add3A_199, %dma_start3A_202] : memref<16384x128xf32, #tpu.memory_space<hbm>> -> memref<128x128xf32, #tpu.memory_space<hbm>>
    tpu.enqueue_dma source(%arg17 : memref<128x128xf32, #tpu.memory_space<vmem>>) target(%dma_start3A_203 : memref<128x128xf32, #tpu.memory_space<hbm>>) target_semaphore(%arg23 : memref<!tpu.dma_semaphore, #tpu.memory_space<semaphore_mem>>)
    %dma_wait3A_204 = arith.constant 0 : i32
    %dma_wait3A_205 = tpu.memref_slice %arg9[%add3A_199, %dma_wait3A_204] : memref<16384x128xf32, #tpu.memory_space<hbm>> -> memref<128x128xf32, #tpu.memory_space<hbm>>
    %dma_wait3A_206 = arith.constant 0 : i32
    %dma_wait3A_207 = tpu.memref_slice %arg9[%add3A_199, %dma_wait3A_206] : memref<16384x128xf32, #tpu.memory_space<hbm>> -> memref<128x128xf32, #tpu.memory_space<hbm>>
    tpu.wait_dma2 semaphore(%arg23 : memref<!tpu.dma_semaphore, #tpu.memory_space<semaphore_mem>>) src(%arg17 : memref<128x128xf32, #tpu.memory_space<vmem>>) dst(%dma_wait3A_207 : memref<128x128xf32, #tpu.memory_space<hbm>>)
    %dma_start3A_208 = arith.constant 384 : i32
    %dma_start3A_209 = tpu.memref_slice %arg12[%dma_start3A_208] : memref<512xi32, #tpu.memory_space<vmem>> -> memref<128xi32, #tpu.memory_space<vmem>>
    %dma_start3A_210 = arith.constant 0 : i32
    %dma_start3A_211 = arith.constant 0 : i32
    %dma_start3A_212 = tpu.memref_slice %arg3[%dma_start3A_210, %dma_start3A_211] : memref<8192x128xf32, #tpu.memory_space<hbm>> -> memref<8192x128xf32, #tpu.memory_space<hbm>>
    tpu.enqueue_indirect_dma source(%dma_start3A_212 : memref<8192x128xf32, #tpu.memory_space<hbm>>) target(%arg17 : memref<128x128xf32, #tpu.memory_space<vmem>>) offsets(%dma_start3A_209 : memref<128xi32, #tpu.memory_space<vmem>>) semaphore(%arg21 : memref<!tpu.dma_semaphore, #tpu.memory_space<semaphore_mem>>)
    %dma_wait3A_213 = arith.constant 256 : i32
    %dma_wait3A_214 = tpu.memref_slice %arg12[%dma_wait3A_213] : memref<512xi32, #tpu.memory_space<vmem>> -> memref<128xi32, #tpu.memory_space<vmem>>
    %dma_wait3A_215 = arith.constant 0 : i32
    %dma_wait3A_216 = arith.constant 0 : i32
    %dma_wait3A_217 = tpu.memref_slice %arg3[%dma_wait3A_215, %dma_wait3A_216] : memref<8192x128xf32, #tpu.memory_space<hbm>> -> memref<8192x128xf32, #tpu.memory_space<hbm>>
    tpu.wait_indirect_dma semaphore(%arg20 : memref<!tpu.dma_semaphore, #tpu.memory_space<semaphore_mem>>) src(%dma_wait3A_217 : memref<8192x128xf32, #tpu.memory_space<hbm>>) dst(%arg16 : memref<128x128xf32, #tpu.memory_space<vmem>>)
    %add3A_218 = arith.constant 256 : i32
    %add3A_219 = arith.addi %mul3A_162, %add3A_218 : i32
    %dma_start3A_220 = arith.constant 0 : i32
    %dma_start3A_221 = tpu.memref_slice %arg9[%add3A_219, %dma_start3A_220] : memref<16384x128xf32, #tpu.memory_space<hbm>> -> memref<128x128xf32, #tpu.memory_space<hbm>>
    %dma_start3A_222 = arith.constant 0 : i32
    %dma_start3A_223 = tpu.memref_slice %arg9[%add3A_219, %dma_start3A_222] : memref<16384x128xf32, #tpu.memory_space<hbm>> -> memref<128x128xf32, #tpu.memory_space<hbm>>
    tpu.enqueue_dma source(%arg16 : memref<128x128xf32, #tpu.memory_space<vmem>>) target(%dma_start3A_223 : memref<128x128xf32, #tpu.memory_space<hbm>>) target_semaphore(%arg22 : memref<!tpu.dma_semaphore, #tpu.memory_space<semaphore_mem>>)
    %dma_wait3A_224 = arith.constant 384 : i32
    %dma_wait3A_225 = tpu.memref_slice %arg12[%dma_wait3A_224] : memref<512xi32, #tpu.memory_space<vmem>> -> memref<128xi32, #tpu.memory_space<vmem>>
    %dma_wait3A_226 = arith.constant 0 : i32
    %dma_wait3A_227 = arith.constant 0 : i32
    %dma_wait3A_228 = tpu.memref_slice %arg3[%dma_wait3A_226, %dma_wait3A_227] : memref<8192x128xf32, #tpu.memory_space<hbm>> -> memref<8192x128xf32, #tpu.memory_space<hbm>>
    tpu.wait_indirect_dma semaphore(%arg21 : memref<!tpu.dma_semaphore, #tpu.memory_space<semaphore_mem>>) src(%dma_wait3A_228 : memref<8192x128xf32, #tpu.memory_space<hbm>>) dst(%arg17 : memref<128x128xf32, #tpu.memory_space<vmem>>)
    %add3A_229 = arith.constant 384 : i32
    %add3A_230 = arith.addi %mul3A_162, %add3A_229 : i32
    %dma_start3A_231 = arith.constant 0 : i32
    %dma_start3A_232 = tpu.memref_slice %arg9[%add3A_230, %dma_start3A_231] : memref<16384x128xf32, #tpu.memory_space<hbm>> -> memref<128x128xf32, #tpu.memory_space<hbm>>
    %dma_start3A_233 = arith.constant 0 : i32
    %dma_start3A_234 = tpu.memref_slice %arg9[%add3A_230, %dma_start3A_233] : memref<16384x128xf32, #tpu.memory_space<hbm>> -> memref<128x128xf32, #tpu.memory_space<hbm>>
    tpu.enqueue_dma source(%arg17 : memref<128x128xf32, #tpu.memory_space<vmem>>) target(%dma_start3A_234 : memref<128x128xf32, #tpu.memory_space<hbm>>) target_semaphore(%arg23 : memref<!tpu.dma_semaphore, #tpu.memory_space<semaphore_mem>>)
    %dma_wait3A_235 = arith.constant 0 : i32
    %dma_wait3A_236 = tpu.memref_slice %arg9[%add3A_230, %dma_wait3A_235] : memref<16384x128xf32, #tpu.memory_space<hbm>> -> memref<128x128xf32, #tpu.memory_space<hbm>>
    %dma_wait3A_237 = arith.constant 0 : i32
    %dma_wait3A_238 = tpu.memref_slice %arg9[%add3A_230, %dma_wait3A_237] : memref<16384x128xf32, #tpu.memory_space<hbm>> -> memref<128x128xf32, #tpu.memory_space<hbm>>
    tpu.wait_dma2 semaphore(%arg23 : memref<!tpu.dma_semaphore, #tpu.memory_space<semaphore_mem>>) src(%arg17 : memref<128x128xf32, #tpu.memory_space<vmem>>) dst(%dma_wait3A_238 : memref<128x128xf32, #tpu.memory_space<hbm>>)
    %dma_wait3A_239 = arith.constant 0 : i32
    %dma_wait3A_240 = tpu.memref_slice %arg9[%add3A_219, %dma_wait3A_239] : memref<16384x128xf32, #tpu.memory_space<hbm>> -> memref<128x128xf32, #tpu.memory_space<hbm>>
    %dma_wait3A_241 = arith.constant 0 : i32
    %dma_wait3A_242 = tpu.memref_slice %arg9[%add3A_219, %dma_wait3A_241] : memref<16384x128xf32, #tpu.memory_space<hbm>> -> memref<128x128xf32, #tpu.memory_space<hbm>>
    tpu.wait_dma2 semaphore(%arg22 : memref<!tpu.dma_semaphore, #tpu.memory_space<semaphore_mem>>) src(%arg16 : memref<128x128xf32, #tpu.memory_space<vmem>>) dst(%dma_wait3A_242 : memref<128x128xf32, #tpu.memory_space<hbm>>)
    %mul3A_243 = arith.constant 256 : i32
    %mul3A_244 = arith.muli %add3A, %mul3A_243 : i32
    "tpu.region"() ({
      %run_scoped3A = tpu.sem_alloc : memref<!tpu.dma_semaphore, #tpu.memory_space<semaphore_mem>>
      %dma_start3A_325 = tpu.memref_slice %arg7[%mul3A_244] : memref<8192xi32, #tpu.memory_space<hbm>> -> memref<256xi32, #tpu.memory_space<hbm>>
      %dma_start3A_326 = tpu.memref_slice %arg7[%mul3A_244] : memref<8192xi32, #tpu.memory_space<hbm>> -> memref<256xi32, #tpu.memory_space<hbm>>
      tpu.enqueue_dma source(%dma_start3A_326 : memref<256xi32, #tpu.memory_space<hbm>>) target(%arg13 : memref<256xi32, #tpu.memory_space<vmem>>) target_semaphore(%run_scoped3A : memref<!tpu.dma_semaphore, #tpu.memory_space<semaphore_mem>>)
      %dma_wait3A_327 = tpu.memref_slice %arg7[%mul3A_244] : memref<8192xi32, #tpu.memory_space<hbm>> -> memref<256xi32, #tpu.memory_space<hbm>>
      %dma_wait3A_328 = tpu.memref_slice %arg7[%mul3A_244] : memref<8192xi32, #tpu.memory_space<hbm>> -> memref<256xi32, #tpu.memory_space<hbm>>
      tpu.wait_dma2 semaphore(%run_scoped3A : memref<!tpu.dma_semaphore, #tpu.memory_space<semaphore_mem>>) src(%dma_wait3A_328 : memref<256xi32, #tpu.memory_space<hbm>>) dst(%arg13 : memref<256xi32, #tpu.memory_space<vmem>>)
      tpu.yield
    }) : () -> ()
    %dma_start3A_245 = arith.constant 0 : i32
    %dma_start3A_246 = tpu.memref_slice %arg13[%dma_start3A_245] : memref<256xi32, #tpu.memory_space<vmem>> -> memref<64xi32, #tpu.memory_space<vmem>>
    %dma_start3A_247 = arith.constant 0 : i32
    %dma_start3A_248 = arith.constant 0 : i32
    %dma_start3A_249 = tpu.memref_slice %arg4[%dma_start3A_247, %dma_start3A_248] : memref<80000x128xf32, #tpu.memory_space<hbm>> -> memref<80000x128xf32, #tpu.memory_space<hbm>>
    tpu.enqueue_indirect_dma source(%dma_start3A_249 : memref<80000x128xf32, #tpu.memory_space<hbm>>) target(%arg18 : memref<64x128xf32, #tpu.memory_space<vmem>>) offsets(%dma_start3A_246 : memref<64xi32, #tpu.memory_space<vmem>>) semaphore(%arg20 : memref<!tpu.dma_semaphore, #tpu.memory_space<semaphore_mem>>)
    %dma_start3A_250 = arith.constant 64 : i32
    %dma_start3A_251 = tpu.memref_slice %arg13[%dma_start3A_250] : memref<256xi32, #tpu.memory_space<vmem>> -> memref<64xi32, #tpu.memory_space<vmem>>
    %dma_start3A_252 = arith.constant 0 : i32
    %dma_start3A_253 = arith.constant 0 : i32
    %dma_start3A_254 = tpu.memref_slice %arg4[%dma_start3A_252, %dma_start3A_253] : memref<80000x128xf32, #tpu.memory_space<hbm>> -> memref<80000x128xf32, #tpu.memory_space<hbm>>
    tpu.enqueue_indirect_dma source(%dma_start3A_254 : memref<80000x128xf32, #tpu.memory_space<hbm>>) target(%arg19 : memref<64x128xf32, #tpu.memory_space<vmem>>) offsets(%dma_start3A_251 : memref<64xi32, #tpu.memory_space<vmem>>) semaphore(%arg21 : memref<!tpu.dma_semaphore, #tpu.memory_space<semaphore_mem>>)
    %dma_wait3A_255 = arith.constant 0 : i32
    %dma_wait3A_256 = tpu.memref_slice %arg13[%dma_wait3A_255] : memref<256xi32, #tpu.memory_space<vmem>> -> memref<64xi32, #tpu.memory_space<vmem>>
    %dma_wait3A_257 = arith.constant 0 : i32
    %dma_wait3A_258 = arith.constant 0 : i32
    %dma_wait3A_259 = tpu.memref_slice %arg4[%dma_wait3A_257, %dma_wait3A_258] : memref<80000x128xf32, #tpu.memory_space<hbm>> -> memref<80000x128xf32, #tpu.memory_space<hbm>>
    tpu.wait_indirect_dma semaphore(%arg20 : memref<!tpu.dma_semaphore, #tpu.memory_space<semaphore_mem>>) src(%dma_wait3A_259 : memref<80000x128xf32, #tpu.memory_space<hbm>>) dst(%arg18 : memref<64x128xf32, #tpu.memory_space<vmem>>)
    %add3A_260 = arith.constant 0 : i32
    %add3A_261 = arith.addi %mul3A_244, %add3A_260 : i32
    %dma_start3A_262 = arith.constant 0 : i32
    %dma_start3A_263 = tpu.memref_slice %arg10[%add3A_261, %dma_start3A_262] : memref<8192x128xf32, #tpu.memory_space<hbm>> -> memref<64x128xf32, #tpu.memory_space<hbm>>
    %dma_start3A_264 = arith.constant 0 : i32
    %dma_start3A_265 = tpu.memref_slice %arg10[%add3A_261, %dma_start3A_264] : memref<8192x128xf32, #tpu.memory_space<hbm>> -> memref<64x128xf32, #tpu.memory_space<hbm>>
    tpu.enqueue_dma source(%arg18 : memref<64x128xf32, #tpu.memory_space<vmem>>) target(%dma_start3A_265 : memref<64x128xf32, #tpu.memory_space<hbm>>) target_semaphore(%arg22 : memref<!tpu.dma_semaphore, #tpu.memory_space<semaphore_mem>>)
    %dma_wait3A_266 = arith.constant 0 : i32
    %dma_wait3A_267 = tpu.memref_slice %arg10[%add3A_261, %dma_wait3A_266] : memref<8192x128xf32, #tpu.memory_space<hbm>> -> memref<64x128xf32, #tpu.memory_space<hbm>>
    %dma_wait3A_268 = arith.constant 0 : i32
    %dma_wait3A_269 = tpu.memref_slice %arg10[%add3A_261, %dma_wait3A_268] : memref<8192x128xf32, #tpu.memory_space<hbm>> -> memref<64x128xf32, #tpu.memory_space<hbm>>
    tpu.wait_dma2 semaphore(%arg22 : memref<!tpu.dma_semaphore, #tpu.memory_space<semaphore_mem>>) src(%arg18 : memref<64x128xf32, #tpu.memory_space<vmem>>) dst(%dma_wait3A_269 : memref<64x128xf32, #tpu.memory_space<hbm>>)
    %dma_start3A_270 = arith.constant 128 : i32
    %dma_start3A_271 = tpu.memref_slice %arg13[%dma_start3A_270] : memref<256xi32, #tpu.memory_space<vmem>> -> memref<64xi32, #tpu.memory_space<vmem>>
    %dma_start3A_272 = arith.constant 0 : i32
    %dma_start3A_273 = arith.constant 0 : i32
    %dma_start3A_274 = tpu.memref_slice %arg4[%dma_start3A_272, %dma_start3A_273] : memref<80000x128xf32, #tpu.memory_space<hbm>> -> memref<80000x128xf32, #tpu.memory_space<hbm>>
    tpu.enqueue_indirect_dma source(%dma_start3A_274 : memref<80000x128xf32, #tpu.memory_space<hbm>>) target(%arg18 : memref<64x128xf32, #tpu.memory_space<vmem>>) offsets(%dma_start3A_271 : memref<64xi32, #tpu.memory_space<vmem>>) semaphore(%arg20 : memref<!tpu.dma_semaphore, #tpu.memory_space<semaphore_mem>>)
    %dma_wait3A_275 = arith.constant 64 : i32
    %dma_wait3A_276 = tpu.memref_slice %arg13[%dma_wait3A_275] : memref<256xi32, #tpu.memory_space<vmem>> -> memref<64xi32, #tpu.memory_space<vmem>>
    %dma_wait3A_277 = arith.constant 0 : i32
    %dma_wait3A_278 = arith.constant 0 : i32
    %dma_wait3A_279 = tpu.memref_slice %arg4[%dma_wait3A_277, %dma_wait3A_278] : memref<80000x128xf32, #tpu.memory_space<hbm>> -> memref<80000x128xf32, #tpu.memory_space<hbm>>
    tpu.wait_indirect_dma semaphore(%arg21 : memref<!tpu.dma_semaphore, #tpu.memory_space<semaphore_mem>>) src(%dma_wait3A_279 : memref<80000x128xf32, #tpu.memory_space<hbm>>) dst(%arg19 : memref<64x128xf32, #tpu.memory_space<vmem>>)
    %add3A_280 = arith.constant 64 : i32
    %add3A_281 = arith.addi %mul3A_244, %add3A_280 : i32
    %dma_start3A_282 = arith.constant 0 : i32
    %dma_start3A_283 = tpu.memref_slice %arg10[%add3A_281, %dma_start3A_282] : memref<8192x128xf32, #tpu.memory_space<hbm>> -> memref<64x128xf32, #tpu.memory_space<hbm>>
    %dma_start3A_284 = arith.constant 0 : i32
    %dma_start3A_285 = tpu.memref_slice %arg10[%add3A_281, %dma_start3A_284] : memref<8192x128xf32, #tpu.memory_space<hbm>> -> memref<64x128xf32, #tpu.memory_space<hbm>>
    tpu.enqueue_dma source(%arg19 : memref<64x128xf32, #tpu.memory_space<vmem>>) target(%dma_start3A_285 : memref<64x128xf32, #tpu.memory_space<hbm>>) target_semaphore(%arg23 : memref<!tpu.dma_semaphore, #tpu.memory_space<semaphore_mem>>)
    %dma_wait3A_286 = arith.constant 0 : i32
    %dma_wait3A_287 = tpu.memref_slice %arg10[%add3A_281, %dma_wait3A_286] : memref<8192x128xf32, #tpu.memory_space<hbm>> -> memref<64x128xf32, #tpu.memory_space<hbm>>
    %dma_wait3A_288 = arith.constant 0 : i32
    %dma_wait3A_289 = tpu.memref_slice %arg10[%add3A_281, %dma_wait3A_288] : memref<8192x128xf32, #tpu.memory_space<hbm>> -> memref<64x128xf32, #tpu.memory_space<hbm>>
    tpu.wait_dma2 semaphore(%arg23 : memref<!tpu.dma_semaphore, #tpu.memory_space<semaphore_mem>>) src(%arg19 : memref<64x128xf32, #tpu.memory_space<vmem>>) dst(%dma_wait3A_289 : memref<64x128xf32, #tpu.memory_space<hbm>>)
    %dma_start3A_290 = arith.constant 192 : i32
    %dma_start3A_291 = tpu.memref_slice %arg13[%dma_start3A_290] : memref<256xi32, #tpu.memory_space<vmem>> -> memref<64xi32, #tpu.memory_space<vmem>>
    %dma_start3A_292 = arith.constant 0 : i32
    %dma_start3A_293 = arith.constant 0 : i32
    %dma_start3A_294 = tpu.memref_slice %arg4[%dma_start3A_292, %dma_start3A_293] : memref<80000x128xf32, #tpu.memory_space<hbm>> -> memref<80000x128xf32, #tpu.memory_space<hbm>>
    tpu.enqueue_indirect_dma source(%dma_start3A_294 : memref<80000x128xf32, #tpu.memory_space<hbm>>) target(%arg19 : memref<64x128xf32, #tpu.memory_space<vmem>>) offsets(%dma_start3A_291 : memref<64xi32, #tpu.memory_space<vmem>>) semaphore(%arg21 : memref<!tpu.dma_semaphore, #tpu.memory_space<semaphore_mem>>)
    %dma_wait3A_295 = arith.constant 128 : i32
    %dma_wait3A_296 = tpu.memref_slice %arg13[%dma_wait3A_295] : memref<256xi32, #tpu.memory_space<vmem>> -> memref<64xi32, #tpu.memory_space<vmem>>
    %dma_wait3A_297 = arith.constant 0 : i32
    %dma_wait3A_298 = arith.constant 0 : i32
    %dma_wait3A_299 = tpu.memref_slice %arg4[%dma_wait3A_297, %dma_wait3A_298] : memref<80000x128xf32, #tpu.memory_space<hbm>> -> memref<80000x128xf32, #tpu.memory_space<hbm>>
    tpu.wait_indirect_dma semaphore(%arg20 : memref<!tpu.dma_semaphore, #tpu.memory_space<semaphore_mem>>) src(%dma_wait3A_299 : memref<80000x128xf32, #tpu.memory_space<hbm>>) dst(%arg18 : memref<64x128xf32, #tpu.memory_space<vmem>>)
    %add3A_300 = arith.constant 128 : i32
    %add3A_301 = arith.addi %mul3A_244, %add3A_300 : i32
    %dma_start3A_302 = arith.constant 0 : i32
    %dma_start3A_303 = tpu.memref_slice %arg10[%add3A_301, %dma_start3A_302] : memref<8192x128xf32, #tpu.memory_space<hbm>> -> memref<64x128xf32, #tpu.memory_space<hbm>>
    %dma_start3A_304 = arith.constant 0 : i32
    %dma_start3A_305 = tpu.memref_slice %arg10[%add3A_301, %dma_start3A_304] : memref<8192x128xf32, #tpu.memory_space<hbm>> -> memref<64x128xf32, #tpu.memory_space<hbm>>
    tpu.enqueue_dma source(%arg18 : memref<64x128xf32, #tpu.memory_space<vmem>>) target(%dma_start3A_305 : memref<64x128xf32, #tpu.memory_space<hbm>>) target_semaphore(%arg22 : memref<!tpu.dma_semaphore, #tpu.memory_space<semaphore_mem>>)
    %dma_wait3A_306 = arith.constant 192 : i32
    %dma_wait3A_307 = tpu.memref_slice %arg13[%dma_wait3A_306] : memref<256xi32, #tpu.memory_space<vmem>> -> memref<64xi32, #tpu.memory_space<vmem>>
    %dma_wait3A_308 = arith.constant 0 : i32
    %dma_wait3A_309 = arith.constant 0 : i32
    %dma_wait3A_310 = tpu.memref_slice %arg4[%dma_wait3A_308, %dma_wait3A_309] : memref<80000x128xf32, #tpu.memory_space<hbm>> -> memref<80000x128xf32, #tpu.memory_space<hbm>>
    tpu.wait_indirect_dma semaphore(%arg21 : memref<!tpu.dma_semaphore, #tpu.memory_space<semaphore_mem>>) src(%dma_wait3A_310 : memref<80000x128xf32, #tpu.memory_space<hbm>>) dst(%arg19 : memref<64x128xf32, #tpu.memory_space<vmem>>)
    %add3A_311 = arith.constant 192 : i32
    %add3A_312 = arith.addi %mul3A_244, %add3A_311 : i32
    %dma_start3A_313 = arith.constant 0 : i32
    %dma_start3A_314 = tpu.memref_slice %arg10[%add3A_312, %dma_start3A_313] : memref<8192x128xf32, #tpu.memory_space<hbm>> -> memref<64x128xf32, #tpu.memory_space<hbm>>
    %dma_start3A_315 = arith.constant 0 : i32
    %dma_start3A_316 = tpu.memref_slice %arg10[%add3A_312, %dma_start3A_315] : memref<8192x128xf32, #tpu.memory_space<hbm>> -> memref<64x128xf32, #tpu.memory_space<hbm>>
    tpu.enqueue_dma source(%arg19 : memref<64x128xf32, #tpu.memory_space<vmem>>) target(%dma_start3A_316 : memref<64x128xf32, #tpu.memory_space<hbm>>) target_semaphore(%arg23 : memref<!tpu.dma_semaphore, #tpu.memory_space<semaphore_mem>>)
    %dma_wait3A_317 = arith.constant 0 : i32
    %dma_wait3A_318 = tpu.memref_slice %arg10[%add3A_312, %dma_wait3A_317] : memref<8192x128xf32, #tpu.memory_space<hbm>> -> memref<64x128xf32, #tpu.memory_space<hbm>>
    %dma_wait3A_319 = arith.constant 0 : i32
    %dma_wait3A_320 = tpu.memref_slice %arg10[%add3A_312, %dma_wait3A_319] : memref<8192x128xf32, #tpu.memory_space<hbm>> -> memref<64x128xf32, #tpu.memory_space<hbm>>
    tpu.wait_dma2 semaphore(%arg23 : memref<!tpu.dma_semaphore, #tpu.memory_space<semaphore_mem>>) src(%arg19 : memref<64x128xf32, #tpu.memory_space<vmem>>) dst(%dma_wait3A_320 : memref<64x128xf32, #tpu.memory_space<hbm>>)
    %dma_wait3A_321 = arith.constant 0 : i32
    %dma_wait3A_322 = tpu.memref_slice %arg10[%add3A_301, %dma_wait3A_321] : memref<8192x128xf32, #tpu.memory_space<hbm>> -> memref<64x128xf32, #tpu.memory_space<hbm>>
    %dma_wait3A_323 = arith.constant 0 : i32
    %dma_wait3A_324 = tpu.memref_slice %arg10[%add3A_301, %dma_wait3A_323] : memref<8192x128xf32, #tpu.memory_space<hbm>> -> memref<64x128xf32, #tpu.memory_space<hbm>>
    tpu.wait_dma2 semaphore(%arg22 : memref<!tpu.dma_semaphore, #tpu.memory_space<semaphore_mem>>) src(%arg18 : memref<64x128xf32, #tpu.memory_space<vmem>>) dst(%dma_wait3A_324 : memref<64x128xf32, #tpu.memory_space<hbm>>)
    return
  }
}

module attributes {stable_mosaic.version = 14 : i64} {
  func.func @_tc_project_body(%arg0: i32, %arg1: memref<512x1xi32, #tpu.memory_space<vmem>>, %arg2: memref<512x1024xf32, #tpu.memory_space<vmem>>, %arg3: memref<512x256xf32, #tpu.memory_space<vmem>>, %arg4: memref<512x128xf32, #tpu.memory_space<vmem>>, %arg5: memref<1024x1024xbf16, #tpu.memory_space<vmem>>, %arg6: memref<256x1024xbf16, #tpu.memory_space<vmem>>, %arg7: memref<64x1024xbf16, #tpu.memory_space<vmem>>, %arg8: memref<512x1024xf32, #tpu.memory_space<vmem>>) attributes {dimension_semantics = [#tpu.dimension_semantics<parallel>], iteration_bounds = array<i64: 16>, scalar_prefetch = 0 : i64, scratch_operands = 0 : i64, tpu.core_type = #tpu.core_type<tc>, window_params = [{transform_indices = @transform_0, window_bounds = array<i64: 512, 1>}, {transform_indices = @transform_1, window_bounds = array<i64: 512, 1024>}, {transform_indices = @transform_2, window_bounds = array<i64: 512, 256>}, {transform_indices = @transform_3, window_bounds = array<i64: 512, 128>}, {transform_indices = @transform_4, window_bounds = array<i64: 1024, 1024>}, {transform_indices = @transform_5, window_bounds = array<i64: 256, 1024>}, {pipeline_mode = #tpu.pipeline_mode<synchronous>, transform_indices = @transform_6, window_bounds = array<i64: 64, 1024>}, {transform_indices = @transform_7, window_bounds = array<i64: 512, 1024>}]} {
    %get3A = arith.constant 0 : index
    %get3A_0 = arith.constant 0 : index
    %get3A_1 = vector.load %arg1[%get3A, %get3A_0] : memref<512x1xi32, #tpu.memory_space<vmem>>, vector<512x1xi32>
    %lt3A = arith.constant 20000 : i32
    %lt3A_2 = vector.broadcast %lt3A : i32 to vector<512x1xi32>
    %lt3A_3 = arith.cmpi slt, %get3A_1, %lt3A_2 : vector<512x1xi32>
    %ge3A = arith.constant 20000 : i32
    %ge3A_4 = vector.broadcast %ge3A : i32 to vector<512x1xi32>
    %ge3A_5 = arith.cmpi sge, %get3A_1, %ge3A_4 : vector<512x1xi32>
    %lt3A_6 = arith.constant 60000 : i32
    %lt3A_7 = vector.broadcast %lt3A_6 : i32 to vector<512x1xi32>
    %lt3A_8 = arith.cmpi slt, %get3A_1, %lt3A_7 : vector<512x1xi32>
    %and3A = arith.andi %ge3A_5, %lt3A_8 : vector<512x1xi1>
    %ge3A_9 = arith.constant 60000 : i32
    %ge3A_10 = vector.broadcast %ge3A_9 : i32 to vector<512x1xi32>
    %ge3A_11 = arith.cmpi sge, %get3A_1, %ge3A_10 : vector<512x1xi32>
    %and3A_12 = arith.constant 1 : i32
    %and3A_13 = vector.broadcast %and3A_12 : i32 to vector<512x1xi32>
    %and3A_14 = arith.andi %get3A_1, %and3A_13 : vector<512x1xi32>
    %eq3A = arith.constant 1 : i32
    %eq3A_15 = vector.broadcast %eq3A : i32 to vector<512x1xi32>
    %eq3A_16 = arith.cmpi eq, %and3A_14, %eq3A_15 : vector<512x1xi32>
    %get3A_17 = arith.constant 0 : index
    %get3A_18 = arith.constant 0 : index
    %get3A_19 = vector.load %arg4[%get3A_17, %get3A_18] : memref<512x128xf32, #tpu.memory_space<vmem>>, vector<512x128xf32>
    %slice3A = vector.extract_strided_slice %get3A_19 {offsets = [0, 64], sizes = [512, 64], strides = [1, 1]} : vector<512x128xf32> to vector<512x64xf32>
    %slice3A_20 = vector.extract_strided_slice %get3A_19 {offsets = [0, 0], sizes = [512, 64], strides = [1, 1]} : vector<512x128xf32> to vector<512x64xf32>
    %broadcast_in_dim3A = vector.shape_cast %eq3A_16 : vector<512x1xi1> to vector<512x1xi1>
    %broadcast_in_dim3A_21 = vector.broadcast %broadcast_in_dim3A : vector<512x1xi1> to vector<512x64xi1>
    %select_n3A = arith.select %broadcast_in_dim3A_21, %slice3A, %slice3A_20 : vector<512x64xi1>, vector<512x64xf32>
    %get3A_22 = arith.constant 0 : index
    %get3A_23 = arith.constant 0 : index
    %get3A_24 = vector.load %arg2[%get3A_22, %get3A_23] : memref<512x1024xf32, #tpu.memory_space<vmem>>, vector<512x1024xf32>
    %jit3A = arith.constant 0.000000e+00 : f32
    %broadcast_in_dim3A_25 = vector.shape_cast %lt3A_3 : vector<512x1xi1> to vector<512x1xi1>
    %broadcast_in_dim3A_26 = vector.broadcast %broadcast_in_dim3A_25 : vector<512x1xi1> to vector<512x1024xi1>
    %broadcast_in_dim3A_27 = vector.broadcast %jit3A : f32 to vector<512x1024xf32>
    %select_n3A_28 = arith.select %broadcast_in_dim3A_26, %get3A_24, %broadcast_in_dim3A_27 : vector<512x1024xi1>, vector<512x1024xf32>
    %convert_element_type3A = arith.truncf %select_n3A_28 : vector<512x1024xf32> to vector<512x1024xbf16>
    %get3A_29 = arith.constant 0 : index
    %get3A_30 = arith.constant 0 : index
    %get3A_31 = vector.load %arg3[%get3A_29, %get3A_30] : memref<512x256xf32, #tpu.memory_space<vmem>>, vector<512x256xf32>
    %jit3A_32 = arith.constant 0.000000e+00 : f32
    %broadcast_in_dim3A_33 = vector.shape_cast %and3A : vector<512x1xi1> to vector<512x1xi1>
    %broadcast_in_dim3A_34 = vector.broadcast %broadcast_in_dim3A_33 : vector<512x1xi1> to vector<512x256xi1>
    %broadcast_in_dim3A_35 = vector.broadcast %jit3A_32 : f32 to vector<512x256xf32>
    %select_n3A_36 = arith.select %broadcast_in_dim3A_34, %get3A_31, %broadcast_in_dim3A_35 : vector<512x256xi1>, vector<512x256xf32>
    %convert_element_type3A_37 = arith.truncf %select_n3A_36 : vector<512x256xf32> to vector<512x256xbf16>
    %jit3A_38 = arith.constant 0.000000e+00 : f32
    %broadcast_in_dim3A_39 = vector.shape_cast %ge3A_11 : vector<512x1xi1> to vector<512x1xi1>
    %broadcast_in_dim3A_40 = vector.broadcast %broadcast_in_dim3A_39 : vector<512x1xi1> to vector<512x64xi1>
    %broadcast_in_dim3A_41 = vector.broadcast %jit3A_38 : f32 to vector<512x64xf32>
    %select_n3A_42 = arith.select %broadcast_in_dim3A_40, %select_n3A, %broadcast_in_dim3A_41 : vector<512x64xi1>, vector<512x64xf32>
    %convert_element_type3A_43 = arith.truncf %select_n3A_42 : vector<512x64xf32> to vector<512x64xbf16>
    %get3A_44 = arith.constant 0 : index
    %get3A_45 = arith.constant 0 : index
    %get3A_46 = vector.load %arg5[%get3A_44, %get3A_45] : memref<1024x1024xbf16, #tpu.memory_space<vmem>>, vector<1024x1024xbf16>
    %dot_general3A = arith.constant dense<0.000000e+00> : vector<512x1024xf32>
    %dot_general3A_47 = tpu.matmul %convert_element_type3A, %get3A_46, %dot_general3A {dimension_numbers = #tpu.dot_dimension_numbers<[1], [0], [0], [1], [0, 0, 1, 1], [], []>, transpose_lhs_hint = false} : vector<512x1024xbf16>, vector<1024x1024xbf16>, vector<512x1024xf32> -> vector<512x1024xf32>
    %get3A_48 = arith.constant 0 : index
    %get3A_49 = arith.constant 0 : index
    %get3A_50 = vector.load %arg6[%get3A_48, %get3A_49] : memref<256x1024xbf16, #tpu.memory_space<vmem>>, vector<256x1024xbf16>
    %dot_general3A_51 = arith.constant dense<0.000000e+00> : vector<512x1024xf32>
    %dot_general3A_52 = tpu.matmul %convert_element_type3A_37, %get3A_50, %dot_general3A_51 {dimension_numbers = #tpu.dot_dimension_numbers<[1], [0], [0], [1], [0, 0, 1, 1], [], []>, transpose_lhs_hint = false} : vector<512x256xbf16>, vector<256x1024xbf16>, vector<512x1024xf32> -> vector<512x1024xf32>
    %add3A = arith.addf %dot_general3A_47, %dot_general3A_52 : vector<512x1024xf32>
    %get3A_53 = arith.constant 0 : index
    %get3A_54 = arith.constant 0 : index
    %get3A_55 = vector.load %arg7[%get3A_53, %get3A_54] : memref<64x1024xbf16, #tpu.memory_space<vmem>>, vector<64x1024xbf16>
    %dot_general3A_56 = arith.constant dense<0.000000e+00> : vector<512x1024xf32>
    %dot_general3A_57 = tpu.matmul %convert_element_type3A_43, %get3A_55, %dot_general3A_56 {dimension_numbers = #tpu.dot_dimension_numbers<[1], [0], [0], [1], [0, 0, 1, 1], [], []>, transpose_lhs_hint = false} : vector<512x64xbf16>, vector<64x1024xbf16>, vector<512x1024xf32> -> vector<512x1024xf32>
    %add3A_58 = arith.addf %add3A, %dot_general3A_57 : vector<512x1024xf32>
    %mul3A = arith.constant 3.200000e+01 : f32
    %mul3A_59 = vector.broadcast %mul3A : f32 to vector<512x1024xf32>
    %mul3A_60 = arith.mulf %add3A_58, %mul3A_59 : vector<512x1024xf32>
    %swap3A = arith.constant 0 : index
    %swap3A_61 = arith.constant 0 : index
    %swap3A_62 = vector.load %arg8[%swap3A, %swap3A_61] : memref<512x1024xf32, #tpu.memory_space<vmem>>, vector<512x1024xf32>
    tpu.vector_store %arg8[%swap3A, %swap3A_61], %mul3A_60 {strides = array<i32>} : memref<512x1024xf32, #tpu.memory_space<vmem>>, vector<512x1024xf32>,
    return
  }
  func.func @transform_0(%arg0: i32) -> (i32, i32) {
    %c0_i32 = arith.constant 0 : i32
    %c0_i32_0 = arith.constant 0 : i32
    return %arg0, %c0_i32 : i32, i32
  }
  func.func @transform_1(%arg0: i32) -> (i32, i32) {
    %c0_i32 = arith.constant 0 : i32
    %c0_i32_0 = arith.constant 0 : i32
    return %arg0, %c0_i32 : i32, i32
  }
  func.func @transform_2(%arg0: i32) -> (i32, i32) {
    %c0_i32 = arith.constant 0 : i32
    %c0_i32_0 = arith.constant 0 : i32
    return %arg0, %c0_i32 : i32, i32
  }
  func.func @transform_3(%arg0: i32) -> (i32, i32) {
    %c0_i32 = arith.constant 0 : i32
    %c0_i32_0 = arith.constant 0 : i32
    return %arg0, %c0_i32 : i32, i32
  }
  func.func @transform_4(%arg0: i32) -> (i32, i32) {
    %c0_i32 = arith.constant 0 : i32
    %c0_i32_0 = arith.constant 0 : i32
    %c0_i32_1 = arith.constant 0 : i32
    return %c0_i32, %c0_i32_0 : i32, i32
  }
  func.func @transform_5(%arg0: i32) -> (i32, i32) {
    %c0_i32 = arith.constant 0 : i32
    %c0_i32_0 = arith.constant 0 : i32
    %c0_i32_1 = arith.constant 0 : i32
    return %c0_i32, %c0_i32_0 : i32, i32
  }
  func.func @transform_6(%arg0: i32) -> (i32, i32) {
    %c0_i32 = arith.constant 0 : i32
    %c0_i32_0 = arith.constant 0 : i32
    %c0_i32_1 = arith.constant 0 : i32
    return %c0_i32, %c0_i32_0 : i32, i32
  }
  func.func @transform_7(%arg0: i32) -> (i32, i32) {
    %c0_i32 = arith.constant 0 : i32
    %c0_i32_0 = arith.constant 0 : i32
    return %arg0, %c0_i32 : i32, i32
  }
}

</mosaic_0001>

<sc_bundles>
// kernel: kernel.4.cloned.1.call-start
scs
__scs_entry_jumppad:
0x0: {  	(pc) =	sbr.rel $0x88, $3  }
0x1: {  	(tag) =	ssettag $0x0;
	lr =	simm.s32 $0x1  }
0x2: {  	[smem:$0x3F9A] =	sst lr;
	_ =	strace $0xD0000000  }
0x3: {  	_ = 	snop  }
0x4: {  	_ = 	snop  }
0x5: {  	_ = 	snop  }
0x6: {  	_ = 	snop  }
0x7: {  	_ = 	snop  }
__scs_overlays_trampoline_lowered:
0x8: {  	[smem:$0x3FA9] =	sst s0  }
0x9: {  	[smem:$0x3FAA] =	sst s1  }
0xa: {  	[smem:$0x3FAB] =	sst s2  }
0xb: {  	[smem:$0x3FAC] =	sst s3  }
0xc: {  	[smem:$0x3FAD] =	sst s4  }
0xd: {  	[smem:$0x3FAE] =	sst s5  }
0xe: {  	[smem:$0x3FAF] =	sst s6  }
0xf: {  	[smem:$0x3FB0] =	sst s7  }
0x10: {  	[smem:$0x3FB1] =	sst s8  }
0x11: {  	[smem:$0x3FB2] =	sst s9;
	s0 =	simm.s32 @!p0 $0x0  }
0x12: {  	s1 =	sld [smem:$0x3F98];
	s0 =	simm.s32 @p0 $0x1  }
0x13: {  	[smem:$0x3FB3] =	sst s0;
	s0 =	simm.s32 @!p1 $0x0  }
0x14: {  	s2 =	sld [smem:$0x3F97];
	s0 =	simm.s32 @p1 $0x1  }
0x15: {  	[smem:$0x3FB4] =	sst s0;
	s0 =	simm.s32 @!p2 $0x0  }
0x16: {  	s3 =	sld [smem:$0x3FDB];
	s0 =	simm.s32 @p2 $0x1  }
0x17: {  	s4 =	simm.s32 $0x1BF5;
	[smem:$0x3FB6] =	sst s0  }
0x18: {  	s0 =	sld [smem:$0x3F99];
	_ =	swait.ge [sflag:s4], $0x0  }
0x19: {  	s7 =	sld [smem:$0x3F9A]  }
0x1a: {  	s8 =	sadd.s32 $0xFFFFE003, lr  }
0x1b: {  	s9 =	sadd.s32 $0xFFFFFEF7, lr;
	s5 =	simm.s32 $0xFFFFFFFF;
	p2 =	slt.u32 s8, $0xFFFFF086  }
0x1c: {  	p1 =	slt.u32 s9, $0xF7A;
	s5 =	simm.s32 @!p2 $0x0  }
0x1d: {  	s5 =	simm.s32 @p1 $0x1;
	p0 =	seq.s32 s7, s2  }
0x1e: {  	s7 =	smul.u32 @!p0 $0xF7A, s2;
	p2 =	seq.s32 @!p0 s5, $0x0  }
0x1f: {  	s9 =	smul.u32 $0xF7A, s1;
	s8 =	simm.s32 @!p0 $0x1BF5;
	p2 =	por !p2, p0  }
0x20: {  	[sflag:s8] =	ssyncset.s32 @!p0 $0xFFFFF086;
	s6 =	sadd.s32 @!p0 s3, s7;
	s7 =	simm.s32 @!p0 $0x108  }
0x21: {  	s3 =	sadd.s32 s3, s9;
	s6 =	sadd.s32 @!p0 $0x88, s6;
	s7 =	simm.s32 @p2 $0x1082  }
0x22: {  	[simem:s7], [sflag:s8] =	dma.local @!p0 [hbm:s6], $0xF7A  }
0x23: {  	s9 =	sor.u32 $0xD0000000, s2;
	s6 =	simm.s32 $0x108;
	_ =	swait.ge @!p0 [sflag:s8], $0x0  }
0x24: {  	s3 =	sadd.s32 $0x88, s3;
	s6 =	simm.s32 @!p1 $0x1082;
	[sflag:s4] =	ssyncset.s32 $0xFFFFF086  }
0x25: {  	[simem:s6], [sflag:s4] =	dma.local [hbm:s3], $0xF7A  }
0x26: {  	[smem:$0x3F9A] =	sst s1;
	(tag) =	ssettag s2;
	_ =	strace s9  }
0x27: {  	s1 =	sld [smem:$0x3FAA]  }
0x28: {  	s2 =	sld [smem:$0x3FAB]  }
0x29: {  	s4 =	sld [smem:$0x3FAD]  }
0x2a: {  	p0 =	seq.s32 s5, $0x0;
	s5 =	sld [smem:$0x3FAE]  }
0x2b: {  	s6 =	sld [smem:$0x3FAF]  }
0x2c: {  	s7 =	sld [smem:$0x3FB0]  }
0x2d: {  	s3 =	simm.s32 $0x108;
	s8 =	sld [smem:$0x3FB1]  }
0x2e: {  	s3 =	simm.s32 @!p0 $0x1082;
	s9 =	sld [smem:$0x3FB2]  }
0x2f: {  	lr =	sadd.s32 s0, s3;
	s0 =	sld [smem:$0x3FA9]  }
0x30: {  	s3 =	sld [smem:$0x3FAC]  }
0x31: {  	[smem:$0x3FB5] =	sst s10  }
0x32: {  	s10 =	sld [smem:$0x3FB3];
	_ =	sdelay $0x3  }
0x33: {  	p0 =	seq.s32 s10, $0x1;
	s10 =	sld [smem:$0x3FB5];
	_ =	sdelay $0x3  }
0x34: {  	[smem:$0x3FB5] =	sst s10  }
0x35: {  	s10 =	sld [smem:$0x3FB4];
	_ =	sdelay $0x3  }
0x36: {  	p1 =	seq.s32 s10, $0x1;
	s10 =	sld [smem:$0x3FB5];
	_ =	sdelay $0x3  }
0x37: {  	[smem:$0x3FB5] =	sst s10  }
0x38: {  	s10 =	sld [smem:$0x3FB6]  }
0x39: {  	_ = 	snop;
	(pc) =	sbr.ind lr, $3  }
0x3a: {  	_ = 	snop  }
0x3b: {  	_ = 	snop  }
0x3c: {  	p2 =	seq.s32 s10, $0x1;
	s10 =	sld [smem:$0x3FB5]  }
0x3d: {  	_ =	shalt  }
0x3e: {  	_ =	shalt  }
0x3f: {  	_ =	shalt  }
0x40: {  	_ =	shalt  }
0x41: {  	_ =	shalt  }
0x42: {  	_ =	shalt  }
0x43: {  	_ =	shalt  }
0x44: {  	_ =	shalt  }
0x45: {  	_ =	shalt  }
0x46: {  	_ =	shalt  }
0x47: {  	_ =	shalt  }
0x48: {  	_ =	shalt  }
0x49: {  	_ =	shalt  }
0x4a: {  	_ =	shalt  }
0x4b: {  	_ =	shalt  }
0x4c: {  	_ =	shalt  }
0x4d: {  	_ =	shalt  }
0x4e: {  	_ =	shalt  }
0x4f: {  	_ =	shalt  }
0x50: {  	_ =	shalt  }
0x51: {  	_ =	shalt  }
0x52: {  	_ =	shalt  }
0x53: {  	_ =	shalt  }
0x54: {  	_ =	shalt  }
0x55: {  	_ =	shalt  }
0x56: {  	_ =	shalt  }
0x57: {  	_ =	shalt  }
0x58: {  	_ =	shalt  }
0x59: {  	_ =	shalt  }
0x5a: {  	_ =	shalt  }
0x5b: {  	_ =	shalt  }
0x5c: {  	_ =	shalt  }
0x5d: {  	_ =	shalt  }
0x5e: {  	_ =	shalt  }
0x5f: {  	_ =	shalt  }
0x60: {  	_ =	shalt  }
0x61: {  	_ =	shalt  }
0x62: {  	_ =	shalt  }
0x63: {  	_ =	shalt  }
0x64: {  	_ =	shalt  }
0x65: {  	_ =	shalt  }
0x66: {  	_ =	shalt  }
0x67: {  	_ =	shalt  }
0x68: {  	_ =	shalt  }
0x69: {  	_ =	shalt  }
0x6a: {  	_ =	shalt  }
0x6b: {  	_ =	shalt  }
0x6c: {  	_ =	shalt  }
0x6d: {  	_ =	shalt  }
0x6e: {  	_ =	shalt  }
0x6f: {  	_ =	shalt  }
0x70: {  	_ =	shalt  }
0x71: {  	_ =	shalt  }
0x72: {  	_ =	shalt  }
0x73: {  	_ =	shalt  }
0x74: {  	_ =	shalt  }
0x75: {  	_ =	shalt  }
0x76: {  	_ =	shalt  }
0x77: {  	_ =	shalt  }
0x78: {  	_ =	shalt  }
0x79: {  	_ =	shalt  }
0x7a: {  	_ =	shalt  }
0x7b: {  	_ =	shalt  }
0x7c: {  	_ =	shalt  }
0x7d: {  	_ =	shalt  }
0x7e: {  	_ =	shalt  }
0x7f: {  	_ =	shalt  }
0x80: {  	_ =	shalt  }
0x81: {  	_ =	shalt  }
0x82: {  	_ =	shalt  }
0x83: {  	_ =	shalt  }
0x84: {  	_ =	shalt  }
0x85: {  	_ =	shalt  }
0x86: {  	_ =	shalt  }
0x87: {  	_ =	shalt  }
.Lfunc_end0:
.L_simem_size_0:
called_computation_lowered:
.L_overlay_start_0:
0x88: {  	s2 =	sld [smem:$0x3FD9]  }
0x89: {  	s3 =	sld [smem:$0x3FFE];
	_ =	sdelay $0x1  }
0x8a: {  	s1 =	srdreg.scid  }
0x8b: {  	s0 =	sand.u32 $0x1, s1  }
0x8c: {  	s17 =	sshll.u32 s0, $0xA;
	s2 =	sadd.s32 s3, s2  }
0x8d: {  	s2 =	sadd.s32 s2, s17  }
0x8e: {  	[smem:$0x3FC1] =	sst s2  }
0x8f: {  	_ = 	snop  }
0x90: {  	s2 =	sld [smem:$0x3FD0];
	(tm) =	ssettm $0x1  }
0x91: {  	s18 =	sld [smem:$0x3FFB];
	_ =	sdelay $0x3  }
0x92: {  	_ =	strace s18  }
0x93: {  	s3 =	sld [smem:$0x3FFC];
	_ =	sdelay $0x3  }
0x94: {  	_ =	strace s3  }
0x95: {  	s3 =	sld [smem:$0x3FFD];
	_ =	sdelay $0x3  }
0x96: {  	_ =	strace s3  }
0x97: {  	_ =	strace $0x8FFFFFFF  }
0x98: {  	s19 =	sld [smem:$0x3FDB];
	_ =	sdelay $0x1  }
0x99: {  	s4 =	simm.s32 $_scs_section_size  }
0x9a: {  	s5 =	simm.s32 $_size__tile_overlayer_lowered;
	s6 =	simm.s32 $_tile_overlayer_lowered  }
0x9b: {  	s22 =	simm.s32 $0x1BFF;
	s21 =	sshll.u32 s6, $0x1;
	s3 =	sadd.s32 s4, s19  }
0x9c: {  	s7 =	simm.s32 $0x0;
	s20 =	sshll.u32 s5, $0x1;
	s5 =	sadd.s32 s21, s3  }
0x9d: {  	[timem:s7], [sflag:s22] =	dma.local [hbm:s5], s20  }
0x9e: {  	_ =	swait.ge [sflag:s22], s20  }
0x9f: {  	s4 =	ssub.s32 $0x0, s20;
	[sflag:s22] =	ssyncset.done $0x0  }
0xa0: {  	[sflag:s22] =	ssyncadd.s32 s4;
	_ =	sdelay $0x1  }
0xa1: {  	s23 =	simm.s32 $0x1B8B  }
0xa2: {  	_ =	swait.ge [sflag:s23], $0x1  }
0xa3: {  	[sflag:s23] =	ssyncset.done $0x0  }
0xa4: {  	s25 =	simm.s32 $0x1B8E;
	s24 =	sld [smem:$0x3FFE];
	[sflag:s23] =	ssyncadd.s32 $0xFFFFFFFF  }
0xa5: {  	s26 =	simm.s32 $execute0_lowered;
	[smem:$0x3FD2] =	sst s25  }
0xa6: {  	s5 =	sshll.u32 s26, $0x1;
	_ =	strace $0x80000046;
	[dreg:$0x1] =	wrdreg $0xFFFFFFFF  }
0xa7: {  	s28 =	simm.s32 $_size_execute0_lowered;
	s3 =	sadd.s32 s3, s5;
	[dreg:$0x0] =	wrdreg $0x0  }
0xa8: {  	s5 =	sshll.u32 s28, $0x1;
	[dreg:$0x2] =	wrdreg s3  }
0xa9: {  	[dreg:$0x3] =	wrdreg s5  }
0xaa: {  	[dreg:$0x4] =	wrdreg $0xC0  }
0xab: {  	_ =	task [dreg:s7], $0x5FFFF  }
0xac: {  	[dreg:$0x1] =	wrdreg $0xFFFFFFFF  }
0xad: {  	[dreg:$0x0] =	wrdreg $0x60  }
0xae: {  	[dreg:$0x2] =	wrdreg s24  }
0xaf: {  	[dreg:$0x3] =	wrdreg s2  }
0xb0: {  	[dreg:$0x4] =	wrdreg $0x9  }
0xb1: {  	_ =	task.clear_ibuf [dreg:s7], $0x5FFFF;
	_ =	strace $0x90000046  }
0xb2: {  	s29 =	simm.s32 $0x9;
	_ =	strace $0x80000048  }
0xb3: {  	_ =	swait.ge [sflag:s29], $0x1  }
0xb4: {  	[sflag:s29] =	ssyncadd.s32 $0xFFFFFFFF  }
0xb5: {  	_ =	strace $0x90000048  }
0xb6: {  	_ =	sfence  }
0xb7: {  	s30 =	sld [smem:$0x0];
	_ =	sdelay $0x2  }
0xb8: {  	s31 =	sshll.u32 s1, $0xD;
	s1 =	sshrl.u32 s1, $0x2  }
0xb9: {  	s3 =	sand.u32 $0x4000, s31;
	s1 =	sadd.s32 s1, s30  }
0xba: {  	s0 =	sor.u32 s3, s0;
	s1 =	sshll.u32 s1, $0x11  }
0xbb: {  	s0 =	sor.u32 s1, s0  }
0xbc: {  	s0 =	sadd.s32 $0x8F2B, s0  }
0xbd: {  	[sflag:s0] =	ssyncadd.remote.s32 $0x1  }
0xbe: {  	_ =	sfence.sel $0xFFFF  }
0xbf: {  	[dreg:$0x0] =	wrdreg $0xFFFFFFFF;
	(pc) =	sbr.abs _section_cstart, $3  }
0xc0: {  	[dreg:$0x1] =	wrdreg $0xFFFFFFFF  }
0xc1: {  	_ =	task.clear_ibuf [dreg:s7], $0x2FFFF;
	_ =	strace $0x9FFFFFFF  }
0xc2: {  	(tm) =	ssettm $0x7FFFFFFF  }
0xc3: {  	_ =	shalt  }
tec
execute0_lowered:
.L_overlay_start_1:
0x0: {  	(tag) =	ssettag $0x1  }
0x1: {  	s0 =	srdreg.scid;
	s2 =	stileid.u32  }
0x2: {  	s1 =	rddreg [dreg:$0x0];
	s0 =	sand.u32 $0x1, s0;
	s2 =	sshll.u32 s2, $0x1  }
0x3: {  	s3 =	rddreg [dreg:$0x1];
	s5 =	sor.u32 s0, s2;
	s2 =	simm.s32 $0x0  }
0x4: {  	s25 =	simm.s32 $0x480;
	s19 =	sadd.s32 $0x3AD600, s1;
	[smem:$0x7FF] =	sst s2  }
0x5: {  	s26 =	simm.s32 $0x500;
	_ =	strace $0x80000047;
	[dreg:$0x1c] =	wrdreg s19  }
0x6: {  	s4 =	sshll.u32 s5, $0x7;
	s6 =	sshll.u32 s5, $0xF;
	[dreg:$0x15] =	wrdreg s25  }
0x7: {  	s4 =	sadd.s32 s4, s1;
	s7 =	sadd.s32 s3, s6;
	[dreg:$0x16] =	wrdreg s26  }
0x8: {  	s4 =	sadd.s32 $0x2200, s4;
	[dreg:$0x1b] =	wrdreg s7  }
0x9: {  	s3 =	sadd.s32 $0x1000, s7;
	[dreg:$0x3] =	wrdreg s4  }
0xa: {  	s28 =	sadd.s32 $0x2000, s7;
	[dreg:$0x4] =	wrdreg s3  }
0xb: {  	s31 =	sshll.u32 s5, $0x6;
	s29 =	sadd.s32 $0x3000, s7;
	[dreg:$0x5] =	wrdreg s28  }
0xc: {  	s9 =	sshll.u32 s5, $0xD;
	s30 =	sadd.s32 $0x4000, s7;
	[dreg:$0x6] =	wrdreg s29  }
0xd: {  	s13 =	sshll.u32 s5, $0x5;
	s6 =	sadd.s32 $0x5000, s7;
	[dreg:$0x7] =	wrdreg s30  }
0xe: {  	s5 =	sshll.u32 s5, $0xC;
	s8 =	sadd.s32 $0x6000, s7;
	[dreg:$0x8] =	wrdreg s6  }
0xf: {  	s17 =	sadd.s32 s5, s1;
	s10 =	sadd.s32 $0x7000, s7;
	[dreg:$0x9] =	wrdreg s8  }
0x10: {  	s20 =	sadd.s32 $0x40D600, s17;
	[dreg:$0xa] =	wrdreg s10  }
0x11: {  	s21 =	sadd.s32 $0x40DA00, s17;
	[dreg:$0x11] =	wrdreg s20  }
0x12: {  	s23 =	sadd.s32 $0x40DE00, s17;
	[dreg:$0x12] =	wrdreg s21  }
0x13: {  	s7 =	sadd.s32 s13, s1;
	s24 =	sadd.s32 $0x40E200, s17;
	[dreg:$0x13] =	wrdreg s23  }
0x14: {  	s0 =	ssub.s32 $0x2, s0;
	s18 =	sadd.s32 $0x3A00, s7;
	[dreg:$0x14] =	wrdreg s24  }
0x15: {  	s22 =	sshrl.u32 s0, $0x1;
	s28 =	simm.s32 $0x580;
	[dreg:$0x10] =	wrdreg s18  }
0x16: {  	s0 =	ssub.s32 s0, s22;
	s29 =	simm.s32 $0x640;
	[dreg:$0x17] =	wrdreg s28  }
0x17: {  	s19 =	simm.s32 $0x2;
	s30 =	simm.s32 $0x680;
	[dreg:$0x18] =	wrdreg s29  }
0x18: {  	s4 =	sadd.s32 s31, s1;
	s31 =	simm.s32 $0x6C0;
	[dreg:$0x19] =	wrdreg s30  }
0x19: {  	s6 =	sadd.s32 s9, s1;
	s11 =	sadd.s32 $0x3200, s4;
	[dreg:$0x1a] =	wrdreg s31  }
0x1a: {  	s17 =	simm.s32 $0x1;
	s12 =	sadd.s32 $0x3CD600, s6;
	[dreg:$0xb] =	wrdreg s11  }
0x1b: {  	s7 =	smax.u32 s0, $0x1;
	s14 =	sadd.s32 $0x3CDE00, s6;
	[dreg:$0xc] =	wrdreg s12  }
0x1c: {  	s9 =	simm.s32 $0x5;
	s15 =	sadd.s32 $0x3CE600, s6;
	[dreg:$0xd] =	wrdreg s14  }
0x1d: {  	v2 =	vlaneseq.u32;
	s20 =	simm.s32 $0x4;
	s16 =	sadd.s32 $0x3CEE00, s6;
	[dreg:$0xe] =	wrdreg s15  }
0x1e: {  	vm0 =	vmmov $0xffff;
	v1 =	vshrl.u32 v2, $0x3;
	s4 =	sadd.s32 $0x3E00, s1;
	s1 =	sadd.s32 $0x274E00, s1;
	[dreg:$0xf] =	wrdreg s16  }
0x1f: {  	v0 =	vand.u32 $0x7, v2;
	v2 =	vor.u32 $0x8, v2;
	v1 =	vmul.u32 $0x8, v1;
	s8 =	simm.s32 $0x8700;
	s18 =	simm.s32 $0x3;
	[dreg:$0x1d] =	wrdreg s1  }
.LBB2_1:
0x20: {  	s29 =	rddreg [dreg:$0x3]  }
0x21: {  	[tilespmem:s2], [sflag:$0x5] =	stream.linear.gather [hbm4b:s29+s2], $0x400, $0x38;
	[tilespmem:$0x1C700] =	vst v63  }
0x22: {  	_ =	swait.ge [sflag:s9], $0x400  }
0x23: {  	[sflag:s9] =	ssyncset.done $0x0  }
0x24: {  	[sflag:s9] =	ssyncadd.s32 $0xFFFFFC00  }
0x25: {  	v3 =	vld [tilespmem:$0x0];
	_ =	sdelay $0x4  }
0x26: {  	v4 =	vshll.u32 v3, $0x1  }
0x27: {  	v3 =	vand.u32 $0x7, v3;
	v4 =	vand.u32 $0xFFFFFFF0, v4  }
0x28: {  	v3 =	vor.u32 v3, v4  }
0x29: {  	v4 =	vperm.xlane v3, v0;
	_ =	sdelay $0x1  }
0x2a: {  	v3 =	vperm.xlane v3, v2;
	v4 =	vadd.s32 v1, v4;
	_ =	sdelay $0x1  }
0x2b: {  	v3 =	vadd.s32 v1, v3;
	_ =	sdelay $0x1  }
0x2c: {  	s0 =	simm.s32 $0x700  }
0x2d: {  	[tilespmem:s0], [sflag:$0x1] =	stream.indirect_vreg.gather [hbm4b:s4+s2], $0x80, v4, vm0, $0xb8;
	[tilespmem:$0x1C700] =	vst v63  }
0x2e: {  	s1 =	simm.s32 $0xF00  }
0x2f: {  	[tilespmem:s1], [sflag:$0x1] =	stream.indirect_vreg.gather [hbm4b:s4+s2], $0x80, v3, vm0, $0xb8;
	[tilespmem:$0x1C700] =	vst v63  }
0x30: {  	v3 =	vld [tilespmem:$0x10];
	_ =	sdelay $0x4  }
0x31: {  	v57 =	vshll.u32 v3, $0x1  }
0x32: {  	v3 =	vand.u32 $0x7, v3;
	v4 =	vand.u32 $0xFFFFFFF0, v57  }
0x33: {  	v3 =	vor.u32 v3, v4  }
0x34: {  	v4 =	vperm.xlane v3, v0;
	_ =	sdelay $0x1  }
0x35: {  	v3 =	vperm.xlane v3, v2;
	v4 =	vadd.s32 v1, v4;
	_ =	sdelay $0x1  }
0x36: {  	v3 =	vadd.s32 v1, v3;
	_ =	sdelay $0x1  }
0x37: {  	s3 =	simm.s32 $0x1700  }
0x38: {  	[tilespmem:s3], [sflag:$0x1] =	stream.indirect_vreg.gather [hbm4b:s4+s2], $0x80, v4, vm0, $0xb8;
	[tilespmem:$0x1C700] =	vst v63  }
0x39: {  	s5 =	simm.s32 $0x1F00  }
0x3a: {  	[tilespmem:s5], [sflag:$0x1] =	stream.indirect_vreg.gather [hbm4b:s4+s2], $0x80, v3, vm0, $0xb8;
	[tilespmem:$0x1C700] =	vst v63  }
0x3b: {  	v3 =	vld [tilespmem:$0x20];
	_ =	sdelay $0x4  }
0x3c: {  	v58 =	vshll.u32 v3, $0x1  }
0x3d: {  	v3 =	vand.u32 $0x7, v3;
	v4 =	vand.u32 $0xFFFFFFF0, v58  }
0x3e: {  	v3 =	vor.u32 v3, v4  }
0x3f: {  	v4 =	vperm.xlane v3, v0;
	_ =	sdelay $0x1  }
0x40: {  	v3 =	vperm.xlane v3, v2;
	v4 =	vadd.s32 v1, v4;
	_ =	sdelay $0x1  }
0x41: {  	v3 =	vadd.s32 v1, v3;
	_ =	sdelay $0x1  }
0x42: {  	s10 =	simm.s32 $0x2700  }
0x43: {  	[tilespmem:s10], [sflag:$0x1] =	stream.indirect_vreg.gather [hbm4b:s4+s2], $0x80, v4, vm0, $0xb8;
	[tilespmem:$0x1C700] =	vst v63  }
0x44: {  	s11 =	simm.s32 $0x2F00  }
0x45: {  	[tilespmem:s11], [sflag:$0x1] =	stream.indirect_vreg.gather [hbm4b:s4+s2], $0x80, v3, vm0, $0xb8;
	[tilespmem:$0x1C700] =	vst v63  }
0x46: {  	v3 =	vld [tilespmem:$0x30];
	_ =	sdelay $0x4  }
0x47: {  	v59 =	vshll.u32 v3, $0x1  }
0x48: {  	v3 =	vand.u32 $0x7, v3;
	v4 =	vand.u32 $0xFFFFFFF0, v59  }
0x49: {  	v3 =	vor.u32 v3, v4  }
0x4a: {  	v4 =	vperm.xlane v3, v0;
	_ =	sdelay $0x1  }
0x4b: {  	v3 =	vperm.xlane v3, v2;
	v4 =	vadd.s32 v1, v4;
	_ =	sdelay $0x1  }
0x4c: {  	v3 =	vadd.s32 v1, v3;
	_ =	sdelay $0x1  }
0x4d: {  	s12 =	simm.s32 $0x3700  }
0x4e: {  	[tilespmem:s12], [sflag:$0x1] =	stream.indirect_vreg.gather [hbm4b:s4+s2], $0x80, v4, vm0, $0xb8;
	[tilespmem:$0x1C700] =	vst v63  }
0x4f: {  	s13 =	simm.s32 $0x3F00  }
0x50: {  	[tilespmem:s13], [sflag:$0x1] =	stream.indirect_vreg.gather [hbm4b:s4+s2], $0x80, v3, vm0, $0xb8;
	[tilespmem:$0x1C700] =	vst v63  }
0x51: {  	v3 =	vld [tilespmem:$0x40];
	_ =	sdelay $0x4  }
0x52: {  	v60 =	vshll.u32 v3, $0x1  }
0x53: {  	v3 =	vand.u32 $0x7, v3;
	v4 =	vand.u32 $0xFFFFFFF0, v60  }
0x54: {  	v3 =	vor.u32 v3, v4  }
0x55: {  	v4 =	vperm.xlane v3, v0;
	_ =	sdelay $0x1  }
0x56: {  	v3 =	vperm.xlane v3, v2;
	v4 =	vadd.s32 v1, v4;
	_ =	sdelay $0x1  }
0x57: {  	v3 =	vadd.s32 v1, v3;
	_ =	sdelay $0x1  }
0x58: {  	s14 =	simm.s32 $0x4700  }
0x59: {  	[tilespmem:s14], [sflag:$0x1] =	stream.indirect_vreg.gather [hbm4b:s4+s2], $0x80, v4, vm0, $0xb8;
	[tilespmem:$0x1C700] =	vst v63  }
0x5a: {  	s23 =	simm.s32 $0x4F00  }
0x5b: {  	[tilespmem:s23], [sflag:$0x1] =	stream.indirect_vreg.gather [hbm4b:s4+s2], $0x80, v3, vm0, $0xb8;
	[tilespmem:$0x1C700] =	vst v63  }
0x5c: {  	v3 =	vld [tilespmem:$0x50];
	_ =	sdelay $0x4  }
0x5d: {  	v61 =	vshll.u32 v3, $0x1  }
0x5e: {  	v3 =	vand.u32 $0x7, v3;
	v4 =	vand.u32 $0xFFFFFFF0, v61  }
0x5f: {  	v3 =	vor.u32 v3, v4  }
0x60: {  	v4 =	vperm.xlane v3, v0;
	_ =	sdelay $0x1  }
0x61: {  	v3 =	vperm.xlane v3, v2;
	v4 =	vadd.s32 v1, v4;
	_ =	sdelay $0x1  }
0x62: {  	v3 =	vadd.s32 v1, v3;
	_ =	sdelay $0x1  }
0x63: {  	s24 =	simm.s32 $0x5700  }
0x64: {  	[tilespmem:s24], [sflag:$0x1] =	stream.indirect_vreg.gather [hbm4b:s4+s2], $0x80, v4, vm0, $0xb8;
	[tilespmem:$0x1C700] =	vst v63  }
0x65: {  	s25 =	simm.s32 $0x5F00  }
0x66: {  	[tilespmem:s25], [sflag:$0x1] =	stream.indirect_vreg.gather [hbm4b:s4+s2], $0x80, v3, vm0, $0xb8;
	[tilespmem:$0x1C700] =	vst v63  }
0x67: {  	v3 =	vld [tilespmem:$0x60];
	_ =	sdelay $0x4  }
0x68: {  	v62 =	vshll.u32 v3, $0x1  }
0x69: {  	v3 =	vand.u32 $0x7, v3;
	v4 =	vand.u32 $0xFFFFFFF0, v62  }
0x6a: {  	v3 =	vor.u32 v3, v4  }
0x6b: {  	v4 =	vperm.xlane v3, v0;
	_ =	sdelay $0x1  }
0x6c: {  	v3 =	vperm.xlane v3, v2;
	v4 =	vadd.s32 v1, v4;
	_ =	sdelay $0x1  }
0x6d: {  	v3 =	vadd.s32 v1, v3;
	_ =	sdelay $0x1  }
0x6e: {  	s26 =	simm.s32 $0x6700  }
0x6f: {  	[tilespmem:s26], [sflag:$0x1] =	stream.indirect_vreg.gather [hbm4b:s4+s2], $0x80, v4, vm0, $0xb8;
	[tilespmem:$0x1C700] =	vst v63  }
0x70: {  	s28 =	simm.s32 $0x6F00  }
0x71: {  	[tilespmem:s28], [sflag:$0x1] =	stream.indirect_vreg.gather [hbm4b:s4+s2], $0x80, v3, vm0, $0xb8;
	[tilespmem:$0x1C700] =	vst v63  }
0x72: {  	v3 =	vld [tilespmem:$0x70];
	_ =	sdelay $0x4  }
0x73: {  	v63 =	vshll.u32 v3, $0x1  }
0x74: {  	v3 =	vand.u32 $0x7, v3;
	v4 =	vand.u32 $0xFFFFFFF0, v63  }
0x75: {  	v3 =	vor.u32 v3, v4  }
0x76: {  	v4 =	vperm.xlane v3, v0;
	_ =	sdelay $0x1  }
0x77: {  	v3 =	vperm.xlane v3, v2;
	v4 =	vadd.s32 v1, v4;
	_ =	sdelay $0x1  }
0x78: {  	v3 =	vadd.s32 v1, v3;
	_ =	sdelay $0x1  }
0x79: {  	s29 =	simm.s32 $0x7700  }
0x7a: {  	[tilespmem:s29], [sflag:$0x1] =	stream.indirect_vreg.gather [hbm4b:s4+s2], $0x80, v4, vm0, $0xb8;
	[tilespmem:$0x1C700] =	vst v63  }
0x7b: {  	s31 =	simm.s32 $0x7F00  }
0x7c: {  	[tilespmem:s31], [sflag:$0x1] =	stream.indirect_vreg.gather [hbm4b:s4+s2], $0x80, v3, vm0, $0xb8;
	[tilespmem:$0x1C700] =	vst v63  }
0x7d: {  	v3 =	vld [tilespmem:$0x80];
	_ =	sdelay $0x4  }
0x7e: {  	v8 =	vshll.u32 v3, $0x1  }
0x7f: {  	v3 =	vand.u32 $0x7, v3;
	v4 =	vand.u32 $0xFFFFFFF0, v8  }
0x80: {  	v3 =	vor.u32 v3, v4  }
0x81: {  	v4 =	vperm.xlane v3, v0;
	_ =	sdelay $0x1  }
0x82: {  	v3 =	vperm.xlane v3, v2;
	v4 =	vadd.s32 v1, v4;
	_ =	sdelay $0x1  }
0x83: {  	v3 =	vadd.s32 v1, v3;
	_ =	sdelay $0x2  }
0x84: {  	[tilespmem:s8], [sflag:$0x2] =	stream.indirect_vreg.gather [hbm4b:s4+s2], $0x80, v4, vm0, $0xb8;
	[tilespmem:$0x1C700] =	vst v63  }
0x85: {  	s5 =	simm.s32 $0x8F00  }
0x86: {  	[tilespmem:s5], [sflag:$0x2] =	stream.indirect_vreg.gather [hbm4b:s4+s2], $0x80, v3, vm0, $0xb8;
	[tilespmem:$0x1C700] =	vst v63  }
0x87: {  	v3 =	vld [tilespmem:$0x90];
	_ =	sdelay $0x4  }
0x88: {  	v9 =	vshll.u32 v3, $0x1  }
0x89: {  	v3 =	vand.u32 $0x7, v3;
	v4 =	vand.u32 $0xFFFFFFF0, v9  }
0x8a: {  	v3 =	vor.u32 v3, v4  }
0x8b: {  	v4 =	vperm.xlane v3, v0;
	_ =	sdelay $0x1  }
0x8c: {  	v3 =	vperm.xlane v3, v2;
	v4 =	vadd.s32 v1, v4;
	_ =	sdelay $0x1  }
0x8d: {  	v3 =	vadd.s32 v1, v3;
	_ =	sdelay $0x1  }
0x8e: {  	s1 =	simm.s32 $0x9700  }
0x8f: {  	[tilespmem:s1], [sflag:$0x2] =	stream.indirect_vreg.gather [hbm4b:s4+s2], $0x80, v4, vm0, $0xb8;
	[tilespmem:$0x1C700] =	vst v63  }
0x90: {  	s3 =	simm.s32 $0x9F00  }
0x91: {  	[tilespmem:s3], [sflag:$0x2] =	stream.indirect_vreg.gather [hbm4b:s4+s2], $0x80, v3, vm0, $0xb8;
	[tilespmem:$0x1C700] =	vst v63  }
0x92: {  	v3 =	vld [tilespmem:$0xA0];
	_ =	sdelay $0x4  }
0x93: {  	v10 =	vshll.u32 v3, $0x1  }
0x94: {  	v3 =	vand.u32 $0x7, v3;
	v4 =	vand.u32 $0xFFFFFFF0, v10  }
0x95: {  	v3 =	vor.u32 v3, v4  }
0x96: {  	v4 =	vperm.xlane v3, v0;
	_ =	sdelay $0x1  }
0x97: {  	v3 =	vperm.xlane v3, v2;
	v4 =	vadd.s32 v1, v4;
	_ =	sdelay $0x1  }
0x98: {  	v3 =	vadd.s32 v1, v3;
	_ =	sdelay $0x1  }
0x99: {  	s10 =	simm.s32 $0xA700  }
0x9a: {  	[tilespmem:s10], [sflag:$0x2] =	stream.indirect_vreg.gather [hbm4b:s4+s2], $0x80, v4, vm0, $0xb8;
	[tilespmem:$0x1C700] =	vst v63  }
0x9b: {  	s11 =	simm.s32 $0xAF00  }
0x9c: {  	[tilespmem:s11], [sflag:$0x2] =	stream.indirect_vreg.gather [hbm4b:s4+s2], $0x80, v3, vm0, $0xb8;
	[tilespmem:$0x1C700] =	vst v63  }
0x9d: {  	v3 =	vld [tilespmem:$0xB0];
	_ =	sdelay $0x4  }
0x9e: {  	v11 =	vshll.u32 v3, $0x1  }
0x9f: {  	v3 =	vand.u32 $0x7, v3;
	v4 =	vand.u32 $0xFFFFFFF0, v11  }
0xa0: {  	v3 =	vor.u32 v3, v4  }
0xa1: {  	v4 =	vperm.xlane v3, v0;
	_ =	sdelay $0x1  }
0xa2: {  	v3 =	vperm.xlane v3, v2;
	v4 =	vadd.s32 v1, v4;
	_ =	sdelay $0x1  }
0xa3: {  	v3 =	vadd.s32 v1, v3;
	_ =	sdelay $0x1  }
0xa4: {  	s12 =	simm.s32 $0xB700  }
0xa5: {  	[tilespmem:s12], [sflag:$0x2] =	stream.indirect_vreg.gather [hbm4b:s4+s2], $0x80, v4, vm0, $0xb8;
	[tilespmem:$0x1C700] =	vst v63  }
0xa6: {  	s13 =	simm.s32 $0xBF00  }
0xa7: {  	[tilespmem:s13], [sflag:$0x2] =	stream.indirect_vreg.gather [hbm4b:s4+s2], $0x80, v3, vm0, $0xb8;
	[tilespmem:$0x1C700] =	vst v63  }
0xa8: {  	v3 =	vld [tilespmem:$0xC0];
	_ =	sdelay $0x4  }
0xa9: {  	v12 =	vshll.u32 v3, $0x1  }
0xaa: {  	v3 =	vand.u32 $0x7, v3;
	v4 =	vand.u32 $0xFFFFFFF0, v12  }
0xab: {  	v3 =	vor.u32 v3, v4  }
0xac: {  	v4 =	vperm.xlane v3, v0;
	_ =	sdelay $0x1  }
0xad: {  	v3 =	vperm.xlane v3, v2;
	v4 =	vadd.s32 v1, v4;
	_ =	sdelay $0x1  }
0xae: {  	v3 =	vadd.s32 v1, v3;
	_ =	sdelay $0x1  }
0xaf: {  	s26 =	simm.s32 $0xC700  }
0xb0: {  	[tilespmem:s26], [sflag:$0x2] =	stream.indirect_vreg.gather [hbm4b:s4+s2], $0x80, v4, vm0, $0xb8;
	[tilespmem:$0x1C700] =	vst v63  }
0xb1: {  	s28 =	simm.s32 $0xCF00  }
0xb2: {  	[tilespmem:s28], [sflag:$0x2] =	stream.indirect_vreg.gather [hbm4b:s4+s2], $0x80, v3, vm0, $0xb8;
	[tilespmem:$0x1C700] =	vst v63  }
0xb3: {  	v3 =	vld [tilespmem:$0xD0];
	_ =	sdelay $0x4  }
0xb4: {  	v13 =	vshll.u32 v3, $0x1  }
0xb5: {  	v3 =	vand.u32 $0x7, v3;
	v4 =	vand.u32 $0xFFFFFFF0, v13  }
0xb6: {  	v3 =	vor.u32 v3, v4  }
0xb7: {  	v4 =	vperm.xlane v3, v0;
	_ =	sdelay $0x1  }
0xb8: {  	v3 =	vperm.xlane v3, v2;
	v4 =	vadd.s32 v1, v4;
	_ =	sdelay $0x1  }
0xb9: {  	v3 =	vadd.s32 v1, v3;
	_ =	sdelay $0x1  }
0xba: {  	s31 =	simm.s32 $0xD700  }
0xbb: {  	[tilespmem:s31], [sflag:$0x2] =	stream.indirect_vreg.gather [hbm4b:s4+s2], $0x80, v4, vm0, $0xb8;
	[tilespmem:$0x1C700] =	vst v63  }
0xbc: {  	s11 =	simm.s32 $0xDF00  }
0xbd: {  	[tilespmem:s11], [sflag:$0x2] =	stream.indirect_vreg.gather [hbm4b:s4+s2], $0x80, v3, vm0, $0xb8;
	[tilespmem:$0x1C700] =	vst v63  }
0xbe: {  	v3 =	vld [tilespmem:$0xE0];
	_ =	sdelay $0x4  }
0xbf: {  	v14 =	vshll.u32 v3, $0x1  }
0xc0: {  	v3 =	vand.u32 $0x7, v3;
	v4 =	vand.u32 $0xFFFFFFF0, v14  }
0xc1: {  	v3 =	vor.u32 v3, v4  }
0xc2: {  	v4 =	vperm.xlane v3, v0;
	_ =	sdelay $0x1  }
0xc3: {  	v3 =	vperm.xlane v3, v2;
	v4 =	vadd.s32 v1, v4;
	_ =	sdelay $0x1  }
0xc4: {  	v3 =	vadd.s32 v1, v3;
	_ =	sdelay $0x1  }
0xc5: {  	s12 =	simm.s32 $0xE700  }
0xc6: {  	[tilespmem:s12], [sflag:$0x2] =	stream.indirect_vreg.gather [hbm4b:s4+s2], $0x80, v4, vm0, $0xb8;
	[tilespmem:$0x1C700] =	vst v63  }
0xc7: {  	s13 =	simm.s32 $0xEF00  }
0xc8: {  	[tilespmem:s13], [sflag:$0x2] =	stream.indirect_vreg.gather [hbm4b:s4+s2], $0x80, v3, vm0, $0xb8;
	[tilespmem:$0x1C700] =	vst v63  }
0xc9: {  	v3 =	vld [tilespmem:$0xF0];
	_ =	sdelay $0x4  }
0xca: {  	v15 =	vshll.u32 v3, $0x1  }
0xcb: {  	v3 =	vand.u32 $0x7, v3;
	v4 =	vand.u32 $0xFFFFFFF0, v15  }
0xcc: {  	v3 =	vor.u32 v3, v4  }
0xcd: {  	v4 =	vperm.xlane v3, v0;
	_ =	sdelay $0x1  }
0xce: {  	v3 =	vperm.xlane v3, v2;
	v4 =	vadd.s32 v1, v4;
	_ =	sdelay $0x1  }
0xcf: {  	v3 =	vadd.s32 v1, v3;
	_ =	sdelay $0x1  }
0xd0: {  	s31 =	simm.s32 $0xF700  }
0xd1: {  	[tilespmem:s31], [sflag:$0x2] =	stream.indirect_vreg.gather [hbm4b:s4+s2], $0x80, v4, vm0, $0xb8;
	[tilespmem:$0x1C700] =	vst v63  }
0xd2: {  	s13 =	simm.s32 $0xFF00  }
0xd3: {  	[tilespmem:s13], [sflag:$0x2] =	stream.indirect_vreg.gather [hbm4b:s4+s2], $0x80, v3, vm0, $0xb8;
	[tilespmem:$0x1C700] =	vst v63  }
0xd4: {  	_ =	swait.ge [sflag:s17], $0x8000  }
0xd5: {  	[sflag:s17] =	ssyncset.done $0x0  }
0xd6: {  	s31 =	rddreg [dreg:$0x1b];
	[sflag:s17] =	ssyncadd.s32 $0xFFFF8000  }
0xd7: {  	[hbm4b:s31+s2] =	stream.linear.scatter [tilespmem:s0], [sflag:$0x3], $0x8000, $0x38;
	[tilespmem:$0x1C700] =	vst v63  }
0xd8: {  	_ =	swait.ge [sflag:s18], $0x8000  }
0xd9: {  	[sflag:s18] =	ssyncset.done $0x0  }
0xda: {  	[sflag:s18] =	ssyncadd.s32 $0xFFFF8000  }
0xdb: {  	v3 =	vld [tilespmem:$0x100];
	_ =	sdelay $0x4  }
0xdc: {  	v16 =	vshll.u32 v3, $0x1  }
0xdd: {  	v3 =	vand.u32 $0x7, v3;
	v4 =	vand.u32 $0xFFFFFFF0, v16  }
0xde: {  	v3 =	vor.u32 v3, v4  }
0xdf: {  	v4 =	vperm.xlane v3, v0;
	_ =	sdelay $0x1  }
0xe0: {  	v3 =	vperm.xlane v3, v2;
	v4 =	vadd.s32 v1, v4;
	_ =	sdelay $0x1  }
0xe1: {  	v3 =	vadd.s32 v1, v3;
	_ =	sdelay $0x2  }
0xe2: {  	[tilespmem:s0], [sflag:$0x1] =	stream.indirect_vreg.gather [hbm4b:s4+s2], $0x80, v4, vm0, $0xb8;
	[tilespmem:$0x1C700] =	vst v63  }
0xe3: {  	s6 =	simm.s32 $0xF00  }
0xe4: {  	[tilespmem:s6], [sflag:$0x1] =	stream.indirect_vreg.gather [hbm4b:s4+s2], $0x80, v3, vm0, $0xb8;
	[tilespmem:$0x1C700] =	vst v63  }
0xe5: {  	v3 =	vld [tilespmem:$0x110];
	_ =	sdelay $0x4  }
0xe6: {  	v17 =	vshll.u32 v3, $0x1  }
0xe7: {  	v3 =	vand.u32 $0x7, v3;
	v4 =	vand.u32 $0xFFFFFFF0, v17  }
0xe8: {  	v3 =	vor.u32 v3, v4  }
0xe9: {  	v4 =	vperm.xlane v3, v0;
	_ =	sdelay $0x1  }
0xea: {  	v3 =	vperm.xlane v3, v2;
	v4 =	vadd.s32 v1, v4;
	_ =	sdelay $0x1  }
0xeb: {  	v3 =	vadd.s32 v1, v3;
	_ =	sdelay $0x1  }
0xec: {  	s15 =	simm.s32 $0x1700  }
0xed: {  	[tilespmem:s15], [sflag:$0x1] =	stream.indirect_vreg.gather [hbm4b:s4+s2], $0x80, v4, vm0, $0xb8;
	[tilespmem:$0x1C700] =	vst v63  }
0xee: {  	s16 =	simm.s32 $0x1F00  }
0xef: {  	[tilespmem:s16], [sflag:$0x1] =	stream.indirect_vreg.gather [hbm4b:s4+s2], $0x80, v3, vm0, $0xb8;
	[tilespmem:$0x1C700] =	vst v63  }
0xf0: {  	v3 =	vld [tilespmem:$0x120];
	_ =	sdelay $0x4  }
0xf1: {  	v18 =	vshll.u32 v3, $0x1  }
0xf2: {  	v3 =	vand.u32 $0x7, v3;
	v4 =	vand.u32 $0xFFFFFFF0, v18  }
0xf3: {  	v3 =	vor.u32 v3, v4  }
0xf4: {  	v4 =	vperm.xlane v3, v0;
	_ =	sdelay $0x1  }
0xf5: {  	v3 =	vperm.xlane v3, v2;
	v4 =	vadd.s32 v1, v4;
	_ =	sdelay $0x1  }
0xf6: {  	v3 =	vadd.s32 v1, v3;
	_ =	sdelay $0x1  }
0xf7: {  	s15 =	simm.s32 $0x2700  }
0xf8: {  	[tilespmem:s15], [sflag:$0x1] =	stream.indirect_vreg.gather [hbm4b:s4+s2], $0x80, v4, vm0, $0xb8;
	[tilespmem:$0x1C700] =	vst v63  }
0xf9: {  	s21 =	simm.s32 $0x2F00  }
0xfa: {  	[tilespmem:s21], [sflag:$0x1] =	stream.indirect_vreg.gather [hbm4b:s4+s2], $0x80, v3, vm0, $0xb8;
	[tilespmem:$0x1C700] =	vst v63  }
0xfb: {  	v3 =	vld [tilespmem:$0x130];
	_ =	sdelay $0x4  }
0xfc: {  	v19 =	vshll.u32 v3, $0x1  }
0xfd: {  	v3 =	vand.u32 $0x7, v3;
	v4 =	vand.u32 $0xFFFFFFF0, v19  }
0xfe: {  	v3 =	vor.u32 v3, v4  }
0xff: {  	v4 =	vperm.xlane v3, v0;
	_ =	sdelay $0x1  }
0x100: {  	v3 =	vperm.xlane v3, v2;
	v4 =	vadd.s32 v1, v4;
	_ =	sdelay $0x1  }
0x101: {  	v3 =	vadd.s32 v1, v3;
	_ =	sdelay $0x1  }
0x102: {  	s16 =	simm.s32 $0x3700  }
0x103: {  	[tilespmem:s16], [sflag:$0x1] =	stream.indirect_vreg.gather [hbm4b:s4+s2], $0x80, v4, vm0, $0xb8;
	[tilespmem:$0x1C700] =	vst v63  }
0x104: {  	s22 =	simm.s32 $0x3F00  }
0x105: {  	[tilespmem:s22], [sflag:$0x1] =	stream.indirect_vreg.gather [hbm4b:s4+s2], $0x80, v3, vm0, $0xb8;
	[tilespmem:$0x1C700] =	vst v63  }
0x106: {  	v3 =	vld [tilespmem:$0x140];
	_ =	sdelay $0x4  }
0x107: {  	v20 =	vshll.u32 v3, $0x1  }
0x108: {  	v3 =	vand.u32 $0x7, v3;
	v4 =	vand.u32 $0xFFFFFFF0, v20  }
0x109: {  	v3 =	vor.u32 v3, v4  }
0x10a: {  	v4 =	vperm.xlane v3, v0;
	_ =	sdelay $0x1  }
0x10b: {  	v3 =	vperm.xlane v3, v2;
	v4 =	vadd.s32 v1, v4;
	_ =	sdelay $0x1  }
0x10c: {  	v3 =	vadd.s32 v1, v3;
	_ =	sdelay $0x1  }
0x10d: {  	s21 =	simm.s32 $0x4700  }
0x10e: {  	[tilespmem:s21], [sflag:$0x1] =	stream.indirect_vreg.gather [hbm4b:s4+s2], $0x80, v4, vm0, $0xb8;
	[tilespmem:$0x1C700] =	vst v63  }
0x10f: {  	s23 =	simm.s32 $0x4F00  }
0x110: {  	[tilespmem:s23], [sflag:$0x1] =	stream.indirect_vreg.gather [hbm4b:s4+s2], $0x80, v3, vm0, $0xb8;
	[tilespmem:$0x1C700] =	vst v63  }
0x111: {  	v3 =	vld [tilespmem:$0x150];
	_ =	sdelay $0x4  }
0x112: {  	v21 =	vshll.u32 v3, $0x1  }
0x113: {  	v3 =	vand.u32 $0x7, v3;
	v4 =	vand.u32 $0xFFFFFFF0, v21  }
0x114: {  	v3 =	vor.u32 v3, v4  }
0x115: {  	v4 =	vperm.xlane v3, v0;
	_ =	sdelay $0x1  }
0x116: {  	v3 =	vperm.xlane v3, v2;
	v4 =	vadd.s32 v1, v4;
	_ =	sdelay $0x1  }
0x117: {  	v3 =	vadd.s32 v1, v3;
	_ =	sdelay $0x1  }
0x118: {  	s22 =	simm.s32 $0x5700  }
0x119: {  	[tilespmem:s22], [sflag:$0x1] =	stream.indirect_vreg.gather [hbm4b:s4+s2], $0x80, v4, vm0, $0xb8;
	[tilespmem:$0x1C700] =	vst v63  }
0x11a: {  	s30 =	simm.s32 $0x5F00  }
0x11b: {  	[tilespmem:s30], [sflag:$0x1] =	stream.indirect_vreg.gather [hbm4b:s4+s2], $0x80, v3, vm0, $0xb8;
	[tilespmem:$0x1C700] =	vst v63  }
0x11c: {  	v3 =	vld [tilespmem:$0x160];
	_ =	sdelay $0x4  }
0x11d: {  	v22 =	vshll.u32 v3, $0x1  }
0x11e: {  	v3 =	vand.u32 $0x7, v3;
	v4 =	vand.u32 $0xFFFFFFF0, v22  }
0x11f: {  	v3 =	vor.u32 v3, v4  }
0x120: {  	v4 =	vperm.xlane v3, v0;
	_ =	sdelay $0x1  }
0x121: {  	v3 =	vperm.xlane v3, v2;
	v4 =	vadd.s32 v1, v4;
	_ =	sdelay $0x1  }
0x122: {  	v3 =	vadd.s32 v1, v3;
	_ =	sdelay $0x1  }
0x123: {  	s23 =	simm.s32 $0x6700  }
0x124: {  	[tilespmem:s23], [sflag:$0x1] =	stream.indirect_vreg.gather [hbm4b:s4+s2], $0x80, v4, vm0, $0xb8;
	[tilespmem:$0x1C700] =	vst v63  }
0x125: {  	s31 =	simm.s32 $0x6F00  }
0x126: {  	[tilespmem:s31], [sflag:$0x1] =	stream.indirect_vreg.gather [hbm4b:s4+s2], $0x80, v3, vm0, $0xb8;
	[tilespmem:$0x1C700] =	vst v63  }
0x127: {  	v3 =	vld [tilespmem:$0x170];
	_ =	sdelay $0x4  }
0x128: {  	v23 =	vshll.u32 v3, $0x1  }
0x129: {  	v3 =	vand.u32 $0x7, v3;
	v4 =	vand.u32 $0xFFFFFFF0, v23  }
0x12a: {  	v3 =	vor.u32 v3, v4  }
0x12b: {  	v4 =	vperm.xlane v3, v0;
	_ =	sdelay $0x1  }
0x12c: {  	v3 =	vperm.xlane v3, v2;
	v4 =	vadd.s32 v1, v4;
	_ =	sdelay $0x1  }
0x12d: {  	v3 =	vadd.s32 v1, v3;
	_ =	sdelay $0x1  }
0x12e: {  	s30 =	simm.s32 $0x7700  }
0x12f: {  	[tilespmem:s30], [sflag:$0x1] =	stream.indirect_vreg.gather [hbm4b:s4+s2], $0x80, v4, vm0, $0xb8;
	[tilespmem:$0x1C700] =	vst v63  }
0x130: {  	s6 =	simm.s32 $0x7F00  }
0x131: {  	[tilespmem:s6], [sflag:$0x1] =	stream.indirect_vreg.gather [hbm4b:s4+s2], $0x80, v3, vm0, $0xb8;
	[tilespmem:$0x1C700] =	vst v63  }
0x132: {  	_ =	swait.ge [sflag:s19], $0x8000  }
0x133: {  	[sflag:s19] =	ssyncset.done $0x0  }
0x134: {  	s29 =	rddreg [dreg:$0x4];
	[sflag:s19] =	ssyncadd.s32 $0xFFFF8000  }
0x135: {  	[hbm4b:s29+s2] =	stream.linear.scatter [tilespmem:s8], [sflag:$0x4], $0x8000, $0x38;
	[tilespmem:$0x1C700] =	vst v63  }
0x136: {  	_ =	swait.ge [sflag:s20], $0x8000  }
0x137: {  	[sflag:s20] =	ssyncset.done $0x0  }
0x138: {  	[sflag:s20] =	ssyncadd.s32 $0xFFFF8000  }
0x139: {  	v3 =	vld [tilespmem:$0x180];
	_ =	sdelay $0x4  }
0x13a: {  	v24 =	vshll.u32 v3, $0x1  }
0x13b: {  	v3 =	vand.u32 $0x7, v3;
	v4 =	vand.u32 $0xFFFFFFF0, v24  }
0x13c: {  	v3 =	vor.u32 v3, v4  }
0x13d: {  	v4 =	vperm.xlane v3, v0;
	_ =	sdelay $0x1  }
0x13e: {  	v3 =	vperm.xlane v3, v2;
	v4 =	vadd.s32 v1, v4;
	_ =	sdelay $0x1  }
0x13f: {  	v3 =	vadd.s32 v1, v3;
	_ =	sdelay $0x2  }
0x140: {  	[tilespmem:s8], [sflag:$0x2] =	stream.indirect_vreg.gather [hbm4b:s4+s2], $0x80, v4, vm0, $0xb8;
	[tilespmem:$0x1C700] =	vst v63  }
0x141: {  	s25 =	simm.s32 $0x8F00  }
0x142: {  	[tilespmem:s25], [sflag:$0x2] =	stream.indirect_vreg.gather [hbm4b:s4+s2], $0x80, v3, vm0, $0xb8;
	[tilespmem:$0x1C700] =	vst v63  }
0x143: {  	v3 =	vld [tilespmem:$0x190];
	_ =	sdelay $0x4  }
0x144: {  	v25 =	vshll.u32 v3, $0x1  }
0x145: {  	v3 =	vand.u32 $0x7, v3;
	v4 =	vand.u32 $0xFFFFFFF0, v25  }
0x146: {  	v3 =	vor.u32 v3, v4  }
0x147: {  	v4 =	vperm.xlane v3, v0;
	_ =	sdelay $0x1  }
0x148: {  	v3 =	vperm.xlane v3, v2;
	v4 =	vadd.s32 v1, v4;
	_ =	sdelay $0x1  }
0x149: {  	v3 =	vadd.s32 v1, v3;
	_ =	sdelay $0x1  }
0x14a: {  	s25 =	simm.s32 $0x9700  }
0x14b: {  	[tilespmem:s25], [sflag:$0x2] =	stream.indirect_vreg.gather [hbm4b:s4+s2], $0x80, v4, vm0, $0xb8;
	[tilespmem:$0x1C700] =	vst v63  }
0x14c: {  	s14 =	simm.s32 $0x9F00  }
0x14d: {  	[tilespmem:s14], [sflag:$0x2] =	stream.indirect_vreg.gather [hbm4b:s4+s2], $0x80, v3, vm0, $0xb8;
	[tilespmem:$0x1C700] =	vst v63  }
0x14e: {  	v3 =	vld [tilespmem:$0x1A0];
	_ =	sdelay $0x4  }
0x14f: {  	v26 =	vshll.u32 v3, $0x1  }
0x150: {  	v3 =	vand.u32 $0x7, v3;
	v4 =	vand.u32 $0xFFFFFFF0, v26  }
0x151: {  	v3 =	vor.u32 v3, v4  }
0x152: {  	v4 =	vperm.xlane v3, v0;
	_ =	sdelay $0x1  }
0x153: {  	v3 =	vperm.xlane v3, v2;
	v4 =	vadd.s32 v1, v4;
	_ =	sdelay $0x1  }
0x154: {  	v3 =	vadd.s32 v1, v3;
	_ =	sdelay $0x1  }
0x155: {  	s5 =	simm.s32 $0xA700  }
0x156: {  	[tilespmem:s5], [sflag:$0x2] =	stream.indirect_vreg.gather [hbm4b:s4+s2], $0x80, v4, vm0, $0xb8;
	[tilespmem:$0x1C700] =	vst v63  }
0x157: {  	s1 =	simm.s32 $0xAF00  }
0x158: {  	[tilespmem:s1], [sflag:$0x2] =	stream.indirect_vreg.gather [hbm4b:s4+s2], $0x80, v3, vm0, $0xb8;
	[tilespmem:$0x1C700] =	vst v63  }
0x159: {  	v3 =	vld [tilespmem:$0x1B0];
	_ =	sdelay $0x4  }
0x15a: {  	v27 =	vshll.u32 v3, $0x1  }
0x15b: {  	v3 =	vand.u32 $0x7, v3;
	v4 =	vand.u32 $0xFFFFFFF0, v27  }
0x15c: {  	v3 =	vor.u32 v3, v4  }
0x15d: {  	v4 =	vperm.xlane v3, v0;
	_ =	sdelay $0x1  }
0x15e: {  	v3 =	vperm.xlane v3, v2;
	v4 =	vadd.s32 v1, v4;
	_ =	sdelay $0x1  }
0x15f: {  	v3 =	vadd.s32 v1, v3;
	_ =	sdelay $0x1  }
0x160: {  	s24 =	simm.s32 $0xB700  }
0x161: {  	[tilespmem:s24], [sflag:$0x2] =	stream.indirect_vreg.gather [hbm4b:s4+s2], $0x80, v4, vm0, $0xb8;
	[tilespmem:$0x1C700] =	vst v63  }
0x162: {  	s3 =	simm.s32 $0xBF00  }
0x163: {  	[tilespmem:s3], [sflag:$0x2] =	stream.indirect_vreg.gather [hbm4b:s4+s2], $0x80, v3, vm0, $0xb8;
	[tilespmem:$0x1C700] =	vst v63  }
0x164: {  	v3 =	vld [tilespmem:$0x1C0];
	_ =	sdelay $0x4  }
0x165: {  	v28 =	vshll.u32 v3, $0x1  }
0x166: {  	v3 =	vand.u32 $0x7, v3;
	v4 =	vand.u32 $0xFFFFFFF0, v28  }
0x167: {  	v3 =	vor.u32 v3, v4  }
0x168: {  	v4 =	vperm.xlane v3, v0;
	_ =	sdelay $0x1  }
0x169: {  	v3 =	vperm.xlane v3, v2;
	v4 =	vadd.s32 v1, v4;
	_ =	sdelay $0x1  }
0x16a: {  	v3 =	vadd.s32 v1, v3;
	_ =	sdelay $0x1  }
0x16b: {  	s26 =	simm.s32 $0xC700  }
0x16c: {  	[tilespmem:s26], [sflag:$0x2] =	stream.indirect_vreg.gather [hbm4b:s4+s2], $0x80, v4, vm0, $0xb8;
	[tilespmem:$0x1C700] =	vst v63  }
0x16d: {  	s10 =	simm.s32 $0xCF00  }
0x16e: {  	[tilespmem:s10], [sflag:$0x2] =	stream.indirect_vreg.gather [hbm4b:s4+s2], $0x80, v3, vm0, $0xb8;
	[tilespmem:$0x1C700] =	vst v63  }
0x16f: {  	v3 =	vld [tilespmem:$0x1D0];
	_ =	sdelay $0x4  }
0x170: {  	v29 =	vshll.u32 v3, $0x1  }
0x171: {  	v3 =	vand.u32 $0x7, v3;
	v4 =	vand.u32 $0xFFFFFFF0, v29  }
0x172: {  	v3 =	vor.u32 v3, v4  }
0x173: {  	v4 =	vperm.xlane v3, v0;
	_ =	sdelay $0x1  }
0x174: {  	v3 =	vperm.xlane v3, v2;
	v4 =	vadd.s32 v1, v4;
	_ =	sdelay $0x1  }
0x175: {  	v3 =	vadd.s32 v1, v3;
	_ =	sdelay $0x1  }
0x176: {  	s28 =	simm.s32 $0xD700  }
0x177: {  	[tilespmem:s28], [sflag:$0x2] =	stream.indirect_vreg.gather [hbm4b:s4+s2], $0x80, v4, vm0, $0xb8;
	[tilespmem:$0x1C700] =	vst v63  }
0x178: {  	s11 =	simm.s32 $0xDF00  }
0x179: {  	[tilespmem:s11], [sflag:$0x2] =	stream.indirect_vreg.gather [hbm4b:s4+s2], $0x80, v3, vm0, $0xb8;
	[tilespmem:$0x1C700] =	vst v63  }
0x17a: {  	v3 =	vld [tilespmem:$0x1E0];
	_ =	sdelay $0x4  }
0x17b: {  	v30 =	vshll.u32 v3, $0x1  }
0x17c: {  	v3 =	vand.u32 $0x7, v3;
	v4 =	vand.u32 $0xFFFFFFF0, v30  }
0x17d: {  	v3 =	vor.u32 v3, v4  }
0x17e: {  	v4 =	vperm.xlane v3, v0;
	_ =	sdelay $0x1  }
0x17f: {  	v3 =	vperm.xlane v3, v2;
	v4 =	vadd.s32 v1, v4;
	_ =	sdelay $0x1  }
0x180: {  	v3 =	vadd.s32 v1, v3;
	_ =	sdelay $0x1  }
0x181: {  	s14 =	simm.s32 $0xE700  }
0x182: {  	[tilespmem:s14], [sflag:$0x2] =	stream.indirect_vreg.gather [hbm4b:s4+s2], $0x80, v4, vm0, $0xb8;
	[tilespmem:$0x1C700] =	vst v63  }
0x183: {  	s12 =	simm.s32 $0xEF00  }
0x184: {  	[tilespmem:s12], [sflag:$0x2] =	stream.indirect_vreg.gather [hbm4b:s4+s2], $0x80, v3, vm0, $0xb8;
	[tilespmem:$0x1C700] =	vst v63  }
0x185: {  	v3 =	vld [tilespmem:$0x1F0];
	_ =	sdelay $0x4  }
0x186: {  	v31 =	vshll.u32 v3, $0x1  }
0x187: {  	v3 =	vand.u32 $0x7, v3;
	v4 =	vand.u32 $0xFFFFFFF0, v31  }
0x188: {  	v3 =	vor.u32 v3, v4  }
0x189: {  	v4 =	vperm.xlane v3, v0;
	_ =	sdelay $0x1  }
0x18a: {  	v3 =	vperm.xlane v3, v2;
	v4 =	vadd.s32 v1, v4;
	_ =	sdelay $0x1  }
0x18b: {  	v3 =	vadd.s32 v1, v3;
	_ =	sdelay $0x1  }
0x18c: {  	s29 =	simm.s32 $0xF700  }
0x18d: {  	[tilespmem:s29], [sflag:$0x2] =	stream.indirect_vreg.gather [hbm4b:s4+s2], $0x80, v4, vm0, $0xb8;
	[tilespmem:$0x1C700] =	vst v63  }
0x18e: {  	s13 =	simm.s32 $0xFF00  }
0x18f: {  	[tilespmem:s13], [sflag:$0x2] =	stream.indirect_vreg.gather [hbm4b:s4+s2], $0x80, v3, vm0, $0xb8;
	[tilespmem:$0x1C700] =	vst v63  }
0x190: {  	_ =	swait.ge [sflag:s17], $0x8000  }
0x191: {  	[sflag:s17] =	ssyncset.done $0x0  }
0x192: {  	s10 =	rddreg [dreg:$0x5];
	[sflag:s17] =	ssyncadd.s32 $0xFFFF8000  }
0x193: {  	[hbm4b:s10+s2] =	stream.linear.scatter [tilespmem:s0], [sflag:$0x3], $0x8000, $0x38;
	[tilespmem:$0x1C700] =	vst v63  }
0x194: {  	_ =	swait.ge [sflag:s18], $0x8000  }
0x195: {  	[sflag:s18] =	ssyncset.done $0x0  }
0x196: {  	[sflag:s18] =	ssyncadd.s32 $0xFFFF8000  }
0x197: {  	v3 =	vld [tilespmem:$0x200];
	_ =	sdelay $0x4  }
0x198: {  	v32 =	vshll.u32 v3, $0x1  }
0x199: {  	v3 =	vand.u32 $0x7, v3;
	v4 =	vand.u32 $0xFFFFFFF0, v32  }
0x19a: {  	v3 =	vor.u32 v3, v4  }
0x19b: {  	v4 =	vperm.xlane v3, v0;
	_ =	sdelay $0x1  }
0x19c: {  	v3 =	vperm.xlane v3, v2;
	v4 =	vadd.s32 v1, v4;
	_ =	sdelay $0x1  }
0x19d: {  	v3 =	vadd.s32 v1, v3;
	_ =	sdelay $0x2  }
0x19e: {  	[tilespmem:s0], [sflag:$0x1] =	stream.indirect_vreg.gather [hbm4b:s4+s2], $0x80, v4, vm0, $0xb8;
	[tilespmem:$0x1C700] =	vst v63  }
0x19f: {  	s12 =	simm.s32 $0xF00  }
0x1a0: {  	[tilespmem:s12], [sflag:$0x1] =	stream.indirect_vreg.gather [hbm4b:s4+s2], $0x80, v3, vm0, $0xb8;
	[tilespmem:$0x1C700] =	vst v63  }
0x1a1: {  	v3 =	vld [tilespmem:$0x210];
	_ =	sdelay $0x4  }
0x1a2: {  	v33 =	vshll.u32 v3, $0x1  }
0x1a3: {  	v3 =	vand.u32 $0x7, v3;
	v4 =	vand.u32 $0xFFFFFFF0, v33  }
0x1a4: {  	v3 =	vor.u32 v3, v4  }
0x1a5: {  	v4 =	vperm.xlane v3, v0;
	_ =	sdelay $0x1  }
0x1a6: {  	v3 =	vperm.xlane v3, v2;
	v4 =	vadd.s32 v1, v4;
	_ =	sdelay $0x1  }
0x1a7: {  	v3 =	vadd.s32 v1, v3;
	_ =	sdelay $0x1  }
0x1a8: {  	s13 =	simm.s32 $0x1700  }
0x1a9: {  	[tilespmem:s13], [sflag:$0x1] =	stream.indirect_vreg.gather [hbm4b:s4+s2], $0x80, v4, vm0, $0xb8;
	[tilespmem:$0x1C700] =	vst v63  }
0x1aa: {  	s14 =	simm.s32 $0x1F00  }
0x1ab: {  	[tilespmem:s14], [sflag:$0x1] =	stream.indirect_vreg.gather [hbm4b:s4+s2], $0x80, v3, vm0, $0xb8;
	[tilespmem:$0x1C700] =	vst v63  }
0x1ac: {  	v3 =	vld [tilespmem:$0x220];
	_ =	sdelay $0x4  }
0x1ad: {  	v34 =	vshll.u32 v3, $0x1  }
0x1ae: {  	v3 =	vand.u32 $0x7, v3;
	v4 =	vand.u32 $0xFFFFFFF0, v34  }
0x1af: {  	v3 =	vor.u32 v3, v4  }
0x1b0: {  	v4 =	vperm.xlane v3, v0;
	_ =	sdelay $0x1  }
0x1b1: {  	v3 =	vperm.xlane v3, v2;
	v4 =	vadd.s32 v1, v4;
	_ =	sdelay $0x1  }
0x1b2: {  	v3 =	vadd.s32 v1, v3;
	_ =	sdelay $0x2  }
0x1b3: {  	[tilespmem:s15], [sflag:$0x1] =	stream.indirect_vreg.gather [hbm4b:s4+s2], $0x80, v4, vm0, $0xb8;
	[tilespmem:$0x1C700] =	vst v63  }
0x1b4: {  	s15 =	simm.s32 $0x2F00  }
0x1b5: {  	[tilespmem:s15], [sflag:$0x1] =	stream.indirect_vreg.gather [hbm4b:s4+s2], $0x80, v3, vm0, $0xb8;
	[tilespmem:$0x1C700] =	vst v63  }
0x1b6: {  	v3 =	vld [tilespmem:$0x230];
	_ =	sdelay $0x4  }
0x1b7: {  	v35 =	vshll.u32 v3, $0x1  }
0x1b8: {  	v3 =	vand.u32 $0x7, v3;
	v4 =	vand.u32 $0xFFFFFFF0, v35  }
0x1b9: {  	v3 =	vor.u32 v3, v4  }
0x1ba: {  	v4 =	vperm.xlane v3, v0;
	_ =	sdelay $0x1  }
0x1bb: {  	v3 =	vperm.xlane v3, v2;
	v4 =	vadd.s32 v1, v4;
	_ =	sdelay $0x1  }
0x1bc: {  	v3 =	vadd.s32 v1, v3;
	_ =	sdelay $0x2  }
0x1bd: {  	[tilespmem:s16], [sflag:$0x1] =	stream.indirect_vreg.gather [hbm4b:s4+s2], $0x80, v4, vm0, $0xb8;
	[tilespmem:$0x1C700] =	vst v63  }
0x1be: {  	s16 =	simm.s32 $0x3F00  }
0x1bf: {  	[tilespmem:s16], [sflag:$0x1] =	stream.indirect_vreg.gather [hbm4b:s4+s2], $0x80, v3, vm0, $0xb8;
	[tilespmem:$0x1C700] =	vst v63  }
0x1c0: {  	v3 =	vld [tilespmem:$0x240];
	_ =	sdelay $0x4  }
0x1c1: {  	v36 =	vshll.u32 v3, $0x1  }
0x1c2: {  	v3 =	vand.u32 $0x7, v3;
	v4 =	vand.u32 $0xFFFFFFF0, v36  }
0x1c3: {  	v3 =	vor.u32 v3, v4  }
0x1c4: {  	v4 =	vperm.xlane v3, v0;
	_ =	sdelay $0x1  }
0x1c5: {  	v3 =	vperm.xlane v3, v2;
	v4 =	vadd.s32 v1, v4;
	_ =	sdelay $0x1  }
0x1c6: {  	v3 =	vadd.s32 v1, v3;
	_ =	sdelay $0x2  }
0x1c7: {  	[tilespmem:s21], [sflag:$0x1] =	stream.indirect_vreg.gather [hbm4b:s4+s2], $0x80, v4, vm0, $0xb8;
	[tilespmem:$0x1C700] =	vst v63  }
0x1c8: {  	s21 =	simm.s32 $0x4F00  }
0x1c9: {  	[tilespmem:s21], [sflag:$0x1] =	stream.indirect_vreg.gather [hbm4b:s4+s2], $0x80, v3, vm0, $0xb8;
	[tilespmem:$0x1C700] =	vst v63  }
0x1ca: {  	v3 =	vld [tilespmem:$0x250];
	_ =	sdelay $0x4  }
0x1cb: {  	v37 =	vshll.u32 v3, $0x1  }
0x1cc: {  	v3 =	vand.u32 $0x7, v3;
	v4 =	vand.u32 $0xFFFFFFF0, v37  }
0x1cd: {  	v3 =	vor.u32 v3, v4  }
0x1ce: {  	v4 =	vperm.xlane v3, v0;
	_ =	sdelay $0x1  }
0x1cf: {  	v3 =	vperm.xlane v3, v2;
	v4 =	vadd.s32 v1, v4;
	_ =	sdelay $0x1  }
0x1d0: {  	v3 =	vadd.s32 v1, v3;
	_ =	sdelay $0x2  }
0x1d1: {  	[tilespmem:s22], [sflag:$0x1] =	stream.indirect_vreg.gather [hbm4b:s4+s2], $0x80, v4, vm0, $0xb8;
	[tilespmem:$0x1C700] =	vst v63  }
0x1d2: {  	s29 =	simm.s32 $0x5F00  }
0x1d3: {  	[tilespmem:s29], [sflag:$0x1] =	stream.indirect_vreg.gather [hbm4b:s4+s2], $0x80, v3, vm0, $0xb8;
	[tilespmem:$0x1C700] =	vst v63  }
0x1d4: {  	v3 =	vld [tilespmem:$0x260];
	_ =	sdelay $0x4  }
0x1d5: {  	v38 =	vshll.u32 v3, $0x1  }
0x1d6: {  	v3 =	vand.u32 $0x7, v3;
	v4 =	vand.u32 $0xFFFFFFF0, v38  }
0x1d7: {  	v3 =	vor.u32 v3, v4  }
0x1d8: {  	v4 =	vperm.xlane v3, v0;
	_ =	sdelay $0x1  }
0x1d9: {  	v3 =	vperm.xlane v3, v2;
	v4 =	vadd.s32 v1, v4;
	_ =	sdelay $0x1  }
0x1da: {  	v3 =	vadd.s32 v1, v3;
	_ =	sdelay $0x2  }
0x1db: {  	[tilespmem:s23], [sflag:$0x1] =	stream.indirect_vreg.gather [hbm4b:s4+s2], $0x80, v4, vm0, $0xb8;
	[tilespmem:$0x1C700] =	vst v63  }
0x1dc: {  	_ = 	snop  }
0x1dd: {  	[tilespmem:s31], [sflag:$0x1] =	stream.indirect_vreg.gather [hbm4b:s4+s2], $0x80, v3, vm0, $0xb8;
	[tilespmem:$0x1C700] =	vst v63  }
0x1de: {  	v3 =	vld [tilespmem:$0x270];
	_ =	sdelay $0x4  }
0x1df: {  	v39 =	vshll.u32 v3, $0x1  }
0x1e0: {  	v3 =	vand.u32 $0x7, v3;
	v4 =	vand.u32 $0xFFFFFFF0, v39  }
0x1e1: {  	v3 =	vor.u32 v3, v4  }
0x1e2: {  	v4 =	vperm.xlane v3, v0;
	_ =	sdelay $0x1  }
0x1e3: {  	v3 =	vperm.xlane v3, v2;
	v4 =	vadd.s32 v1, v4;
	_ =	sdelay $0x1  }
0x1e4: {  	v3 =	vadd.s32 v1, v3;
	_ =	sdelay $0x2  }
0x1e5: {  	[tilespmem:s30], [sflag:$0x1] =	stream.indirect_vreg.gather [hbm4b:s4+s2], $0x80, v4, vm0, $0xb8;
	[tilespmem:$0x1C700] =	vst v63  }
0x1e6: {  	_ = 	snop  }
0x1e7: {  	[tilespmem:s6], [sflag:$0x1] =	stream.indirect_vreg.gather [hbm4b:s4+s2], $0x80, v3, vm0, $0xb8;
	[tilespmem:$0x1C700] =	vst v63  }
0x1e8: {  	_ =	swait.ge [sflag:s19], $0x8000  }
0x1e9: {  	[sflag:s19] =	ssyncset.done $0x0  }
0x1ea: {  	s12 =	rddreg [dreg:$0x6];
	[sflag:s19] =	ssyncadd.s32 $0xFFFF8000  }
0x1eb: {  	[hbm4b:s12+s2] =	stream.linear.scatter [tilespmem:s8], [sflag:$0x4], $0x8000, $0x38;
	[tilespmem:$0x1C700] =	vst v63  }
0x1ec: {  	_ =	swait.ge [sflag:s20], $0x8000  }
0x1ed: {  	[sflag:s20] =	ssyncset.done $0x0  }
0x1ee: {  	[sflag:s20] =	ssyncadd.s32 $0xFFFF8000  }
0x1ef: {  	v3 =	vld [tilespmem:$0x280];
	_ =	sdelay $0x4  }
0x1f0: {  	v40 =	vshll.u32 v3, $0x1  }
0x1f1: {  	v3 =	vand.u32 $0x7, v3;
	v4 =	vand.u32 $0xFFFFFFF0, v40  }
0x1f2: {  	v3 =	vor.u32 v3, v4  }
0x1f3: {  	v4 =	vperm.xlane v3, v0;
	_ =	sdelay $0x1  }
0x1f4: {  	v3 =	vperm.xlane v3, v2;
	v4 =	vadd.s32 v1, v4;
	_ =	sdelay $0x1  }
0x1f5: {  	v3 =	vadd.s32 v1, v3;
	_ =	sdelay $0x2  }
0x1f6: {  	[tilespmem:s8], [sflag:$0x2] =	stream.indirect_vreg.gather [hbm4b:s4+s2], $0x80, v4, vm0, $0xb8;
	[tilespmem:$0x1C700] =	vst v63  }
0x1f7: {  	s29 =	simm.s32 $0x8F00  }
0x1f8: {  	[tilespmem:s29], [sflag:$0x2] =	stream.indirect_vreg.gather [hbm4b:s4+s2], $0x80, v3, vm0, $0xb8;
	[tilespmem:$0x1C700] =	vst v63  }
0x1f9: {  	v3 =	vld [tilespmem:$0x290];
	_ =	sdelay $0x4  }
0x1fa: {  	v41 =	vshll.u32 v3, $0x1  }
0x1fb: {  	v3 =	vand.u32 $0x7, v3;
	v4 =	vand.u32 $0xFFFFFFF0, v41  }
0x1fc: {  	v3 =	vor.u32 v3, v4  }
0x1fd: {  	v4 =	vperm.xlane v3, v0;
	_ =	sdelay $0x1  }
0x1fe: {  	v3 =	vperm.xlane v3, v2;
	v4 =	vadd.s32 v1, v4;
	_ =	sdelay $0x1  }
0x1ff: {  	v3 =	vadd.s32 v1, v3;
	_ =	sdelay $0x2  }
0x200: {  	[tilespmem:s25], [sflag:$0x2] =	stream.indirect_vreg.gather [hbm4b:s4+s2], $0x80, v4, vm0, $0xb8;
	[tilespmem:$0x1C700] =	vst v63  }
0x201: {  	s31 =	simm.s32 $0x9F00  }
0x202: {  	[tilespmem:s31], [sflag:$0x2] =	stream.indirect_vreg.gather [hbm4b:s4+s2], $0x80, v3, vm0, $0xb8;
	[tilespmem:$0x1C700] =	vst v63  }
0x203: {  	v3 =	vld [tilespmem:$0x2A0];
	_ =	sdelay $0x4  }
0x204: {  	v42 =	vshll.u32 v3, $0x1  }
0x205: {  	v3 =	vand.u32 $0x7, v3;
	v4 =	vand.u32 $0xFFFFFFF0, v42  }
0x206: {  	v3 =	vor.u32 v3, v4  }
0x207: {  	v4 =	vperm.xlane v3, v0;
	_ =	sdelay $0x1  }
0x208: {  	v3 =	vperm.xlane v3, v2;
	v4 =	vadd.s32 v1, v4;
	_ =	sdelay $0x1  }
0x209: {  	v3 =	vadd.s32 v1, v3;
	_ =	sdelay $0x1  }
0x20a: {  	s5 =	simm.s32 $0xA700  }
0x20b: {  	[tilespmem:s5], [sflag:$0x2] =	stream.indirect_vreg.gather [hbm4b:s4+s2], $0x80, v4, vm0, $0xb8;
	[tilespmem:$0x1C700] =	vst v63  }
0x20c: {  	s12 =	simm.s32 $0xAF00  }
0x20d: {  	[tilespmem:s12], [sflag:$0x2] =	stream.indirect_vreg.gather [hbm4b:s4+s2], $0x80, v3, vm0, $0xb8;
	[tilespmem:$0x1C700] =	vst v63  }
0x20e: {  	v3 =	vld [tilespmem:$0x2B0];
	_ =	sdelay $0x4  }
0x20f: {  	v43 =	vshll.u32 v3, $0x1  }
0x210: {  	v3 =	vand.u32 $0x7, v3;
	v4 =	vand.u32 $0xFFFFFFF0, v43  }
0x211: {  	v3 =	vor.u32 v3, v4  }
0x212: {  	v4 =	vperm.xlane v3, v0;
	_ =	sdelay $0x1  }
0x213: {  	v3 =	vperm.xlane v3, v2;
	v4 =	vadd.s32 v1, v4;
	_ =	sdelay $0x1  }
0x214: {  	v3 =	vadd.s32 v1, v3;
	_ =	sdelay $0x1  }
0x215: {  	s1 =	simm.s32 $0xB700  }
0x216: {  	[tilespmem:s1], [sflag:$0x2] =	stream.indirect_vreg.gather [hbm4b:s4+s2], $0x80, v4, vm0, $0xb8;
	[tilespmem:$0x1C700] =	vst v63  }
0x217: {  	s24 =	simm.s32 $0xBF00  }
0x218: {  	[tilespmem:s24], [sflag:$0x2] =	stream.indirect_vreg.gather [hbm4b:s4+s2], $0x80, v3, vm0, $0xb8;
	[tilespmem:$0x1C700] =	vst v63  }
0x219: {  	v3 =	vld [tilespmem:$0x2C0];
	_ =	sdelay $0x4  }
0x21a: {  	v44 =	vshll.u32 v3, $0x1  }
0x21b: {  	v3 =	vand.u32 $0x7, v3;
	v4 =	vand.u32 $0xFFFFFFF0, v44  }
0x21c: {  	v3 =	vor.u32 v3, v4  }
0x21d: {  	v4 =	vperm.xlane v3, v0;
	_ =	sdelay $0x1  }
0x21e: {  	v3 =	vperm.xlane v3, v2;
	v4 =	vadd.s32 v1, v4;
	_ =	sdelay $0x1  }
0x21f: {  	v3 =	vadd.s32 v1, v3;
	_ =	sdelay $0x1  }
0x220: {  	s26 =	simm.s32 $0xC700  }
0x221: {  	[tilespmem:s26], [sflag:$0x2] =	stream.indirect_vreg.gather [hbm4b:s4+s2], $0x80, v4, vm0, $0xb8;
	[tilespmem:$0x1C700] =	vst v63  }
0x222: {  	s26 =	simm.s32 $0xCF00  }
0x223: {  	[tilespmem:s26], [sflag:$0x2] =	stream.indirect_vreg.gather [hbm4b:s4+s2], $0x80, v3, vm0, $0xb8;
	[tilespmem:$0x1C700] =	vst v63  }
0x224: {  	v3 =	vld [tilespmem:$0x2D0];
	_ =	sdelay $0x4  }
0x225: {  	v45 =	vshll.u32 v3, $0x1  }
0x226: {  	v3 =	vand.u32 $0x7, v3;
	v4 =	vand.u32 $0xFFFFFFF0, v45  }
0x227: {  	v3 =	vor.u32 v3, v4  }
0x228: {  	v4 =	vperm.xlane v3, v0;
	_ =	sdelay $0x1  }
0x229: {  	v3 =	vperm.xlane v3, v2;
	v4 =	vadd.s32 v1, v4;
	_ =	sdelay $0x1  }
0x22a: {  	v3 =	vadd.s32 v1, v3;
	_ =	sdelay $0x1  }
0x22b: {  	s28 =	simm.s32 $0xD700  }
0x22c: {  	[tilespmem:s28], [sflag:$0x2] =	stream.indirect_vreg.gather [hbm4b:s4+s2], $0x80, v4, vm0, $0xb8;
	[tilespmem:$0x1C700] =	vst v63  }
0x22d: {  	s29 =	simm.s32 $0xDF00  }
0x22e: {  	[tilespmem:s29], [sflag:$0x2] =	stream.indirect_vreg.gather [hbm4b:s4+s2], $0x80, v3, vm0, $0xb8;
	[tilespmem:$0x1C700] =	vst v63  }
0x22f: {  	v3 =	vld [tilespmem:$0x2E0];
	_ =	sdelay $0x4  }
0x230: {  	v46 =	vshll.u32 v3, $0x1  }
0x231: {  	v3 =	vand.u32 $0x7, v3;
	v4 =	vand.u32 $0xFFFFFFF0, v46  }
0x232: {  	v3 =	vor.u32 v3, v4  }
0x233: {  	v4 =	vperm.xlane v3, v0;
	_ =	sdelay $0x1  }
0x234: {  	v3 =	vperm.xlane v3, v2;
	v4 =	vadd.s32 v1, v4;
	_ =	sdelay $0x1  }
0x235: {  	v3 =	vadd.s32 v1, v3;
	_ =	sdelay $0x1  }
0x236: {  	s11 =	simm.s32 $0xE700  }
0x237: {  	[tilespmem:s11], [sflag:$0x2] =	stream.indirect_vreg.gather [hbm4b:s4+s2], $0x80, v4, vm0, $0xb8;
	[tilespmem:$0x1C700] =	vst v63  }
0x238: {  	s11 =	simm.s32 $0xEF00  }
0x239: {  	[tilespmem:s11], [sflag:$0x2] =	stream.indirect_vreg.gather [hbm4b:s4+s2], $0x80, v3, vm0, $0xb8;
	[tilespmem:$0x1C700] =	vst v63  }
0x23a: {  	v3 =	vld [tilespmem:$0x2F0];
	_ =	sdelay $0x4  }
0x23b: {  	v47 =	vshll.u32 v3, $0x1  }
0x23c: {  	v3 =	vand.u32 $0x7, v3;
	v4 =	vand.u32 $0xFFFFFFF0, v47  }
0x23d: {  	v3 =	vor.u32 v3, v4  }
0x23e: {  	v4 =	vperm.xlane v3, v0;
	_ =	sdelay $0x1  }
0x23f: {  	v3 =	vperm.xlane v3, v2;
	v4 =	vadd.s32 v1, v4;
	_ =	sdelay $0x1  }
0x240: {  	v3 =	vadd.s32 v1, v3;
	_ =	sdelay $0x1  }
0x241: {  	s3 =	simm.s32 $0xF700  }
0x242: {  	[tilespmem:s3], [sflag:$0x2] =	stream.indirect_vreg.gather [hbm4b:s4+s2], $0x80, v4, vm0, $0xb8;
	[tilespmem:$0x1C700] =	vst v63  }
0x243: {  	s29 =	simm.s32 $0xFF00  }
0x244: {  	[tilespmem:s29], [sflag:$0x2] =	stream.indirect_vreg.gather [hbm4b:s4+s2], $0x80, v3, vm0, $0xb8;
	[tilespmem:$0x1C700] =	vst v63  }
0x245: {  	_ =	swait.ge [sflag:s17], $0x8000  }
0x246: {  	[sflag:s17] =	ssyncset.done $0x0  }
0x247: {  	s29 =	rddreg [dreg:$0x7];
	[sflag:s17] =	ssyncadd.s32 $0xFFFF8000  }
0x248: {  	[hbm4b:s29+s2] =	stream.linear.scatter [tilespmem:s0], [sflag:$0x3], $0x8000, $0x38;
	[tilespmem:$0x1C700] =	vst v63  }
0x249: {  	_ =	swait.ge [sflag:s18], $0x8000  }
0x24a: {  	[sflag:s18] =	ssyncset.done $0x0  }
0x24b: {  	[sflag:s18] =	ssyncadd.s32 $0xFFFF8000  }
0x24c: {  	v3 =	vld [tilespmem:$0x300];
	_ =	sdelay $0x4  }
0x24d: {  	v48 =	vshll.u32 v3, $0x1  }
0x24e: {  	v3 =	vand.u32 $0x7, v3;
	v4 =	vand.u32 $0xFFFFFFF0, v48  }
0x24f: {  	v3 =	vor.u32 v3, v4  }
0x250: {  	v4 =	vperm.xlane v3, v0;
	_ =	sdelay $0x1  }
0x251: {  	v3 =	vperm.xlane v3, v2;
	v4 =	vadd.s32 v1, v4;
	_ =	sdelay $0x1  }
0x252: {  	v3 =	vadd.s32 v1, v3;
	_ =	sdelay $0x2  }
0x253: {  	[tilespmem:s0], [sflag:$0x1] =	stream.indirect_vreg.gather [hbm4b:s4+s2], $0x80, v4, vm0, $0xb8;
	[tilespmem:$0x1C700] =	vst v63  }
0x254: {  	s29 =	simm.s32 $0xF00  }
0x255: {  	[tilespmem:s29], [sflag:$0x1] =	stream.indirect_vreg.gather [hbm4b:s4+s2], $0x80, v3, vm0, $0xb8;
	[tilespmem:$0x1C700] =	vst v63  }
0x256: {  	v3 =	vld [tilespmem:$0x310];
	_ =	sdelay $0x4  }
0x257: {  	v49 =	vshll.u32 v3, $0x1  }
0x258: {  	v3 =	vand.u32 $0x7, v3;
	v4 =	vand.u32 $0xFFFFFFF0, v49  }
0x259: {  	v3 =	vor.u32 v3, v4  }
0x25a: {  	v4 =	vperm.xlane v3, v0;
	_ =	sdelay $0x1  }
0x25b: {  	v3 =	vperm.xlane v3, v2;
	v4 =	vadd.s32 v1, v4;
	_ =	sdelay $0x1  }
0x25c: {  	v3 =	vadd.s32 v1, v3;
	_ =	sdelay $0x1  }
0x25d: {  	s29 =	simm.s32 $0x1700  }
0x25e: {  	[tilespmem:s29], [sflag:$0x1] =	stream.indirect_vreg.gather [hbm4b:s4+s2], $0x80, v4, vm0, $0xb8;
	[tilespmem:$0x1C700] =	vst v63  }
0x25f: {  	s29 =	simm.s32 $0x1F00  }
0x260: {  	[tilespmem:s29], [sflag:$0x1] =	stream.indirect_vreg.gather [hbm4b:s4+s2], $0x80, v3, vm0, $0xb8;
	[tilespmem:$0x1C700] =	vst v63  }
0x261: {  	v3 =	vld [tilespmem:$0x320];
	_ =	sdelay $0x4  }
0x262: {  	v50 =	vshll.u32 v3, $0x1  }
0x263: {  	v3 =	vand.u32 $0x7, v3;
	v4 =	vand.u32 $0xFFFFFFF0, v50  }
0x264: {  	v3 =	vor.u32 v3, v4  }
0x265: {  	v4 =	vperm.xlane v3, v0;
	_ =	sdelay $0x1  }
0x266: {  	v3 =	vperm.xlane v3, v2;
	v4 =	vadd.s32 v1, v4;
	_ =	sdelay $0x1  }
0x267: {  	v3 =	vadd.s32 v1, v3;
	_ =	sdelay $0x1  }
0x268: {  	s13 =	simm.s32 $0x2700  }
0x269: {  	[tilespmem:s13], [sflag:$0x1] =	stream.indirect_vreg.gather [hbm4b:s4+s2], $0x80, v4, vm0, $0xb8;
	[tilespmem:$0x1C700] =	vst v63  }
0x26a: {  	s29 =	simm.s32 $0x2F00  }
0x26b: {  	[tilespmem:s29], [sflag:$0x1] =	stream.indirect_vreg.gather [hbm4b:s4+s2], $0x80, v3, vm0, $0xb8;
	[tilespmem:$0x1C700] =	vst v63  }
0x26c: {  	v3 =	vld [tilespmem:$0x330];
	_ =	sdelay $0x4  }
0x26d: {  	v51 =	vshll.u32 v3, $0x1  }
0x26e: {  	v3 =	vand.u32 $0x7, v3;
	v4 =	vand.u32 $0xFFFFFFF0, v51  }
0x26f: {  	v3 =	vor.u32 v3, v4  }
0x270: {  	v4 =	vperm.xlane v3, v0;
	_ =	sdelay $0x1  }
0x271: {  	v3 =	vperm.xlane v3, v2;
	v4 =	vadd.s32 v1, v4;
	_ =	sdelay $0x1  }
0x272: {  	v3 =	vadd.s32 v1, v3;
	_ =	sdelay $0x1  }
0x273: {  	s14 =	simm.s32 $0x3700  }
0x274: {  	[tilespmem:s14], [sflag:$0x1] =	stream.indirect_vreg.gather [hbm4b:s4+s2], $0x80, v4, vm0, $0xb8;
	[tilespmem:$0x1C700] =	vst v63  }
0x275: {  	s14 =	simm.s32 $0x3F00  }
0x276: {  	[tilespmem:s14], [sflag:$0x1] =	stream.indirect_vreg.gather [hbm4b:s4+s2], $0x80, v3, vm0, $0xb8;
	[tilespmem:$0x1C700] =	vst v63  }
0x277: {  	v3 =	vld [tilespmem:$0x340];
	_ =	sdelay $0x4  }
0x278: {  	v52 =	vshll.u32 v3, $0x1  }
0x279: {  	v3 =	vand.u32 $0x7, v3;
	v4 =	vand.u32 $0xFFFFFFF0, v52  }
0x27a: {  	v3 =	vor.u32 v3, v4  }
0x27b: {  	v4 =	vperm.xlane v3, v0;
	_ =	sdelay $0x1  }
0x27c: {  	v3 =	vperm.xlane v3, v2;
	v4 =	vadd.s32 v1, v4;
	_ =	sdelay $0x1  }
0x27d: {  	v3 =	vadd.s32 v1, v3;
	_ =	sdelay $0x1  }
0x27e: {  	s15 =	simm.s32 $0x4700  }
0x27f: {  	[tilespmem:s15], [sflag:$0x1] =	stream.indirect_vreg.gather [hbm4b:s4+s2], $0x80, v4, vm0, $0xb8;
	[tilespmem:$0x1C700] =	vst v63  }
0x280: {  	s15 =	simm.s32 $0x4F00  }
0x281: {  	[tilespmem:s15], [sflag:$0x1] =	stream.indirect_vreg.gather [hbm4b:s4+s2], $0x80, v3, vm0, $0xb8;
	[tilespmem:$0x1C700] =	vst v63  }
0x282: {  	v3 =	vld [tilespmem:$0x350];
	_ =	sdelay $0x4  }
0x283: {  	v53 =	vshll.u32 v3, $0x1  }
0x284: {  	v3 =	vand.u32 $0x7, v3;
	v4 =	vand.u32 $0xFFFFFFF0, v53  }
0x285: {  	v3 =	vor.u32 v3, v4  }
0x286: {  	v4 =	vperm.xlane v3, v0;
	_ =	sdelay $0x1  }
0x287: {  	v3 =	vperm.xlane v3, v2;
	v4 =	vadd.s32 v1, v4;
	_ =	sdelay $0x1  }
0x288: {  	v3 =	vadd.s32 v1, v3;
	_ =	sdelay $0x1  }
0x289: {  	s16 =	simm.s32 $0x5700  }
0x28a: {  	[tilespmem:s16], [sflag:$0x1] =	stream.indirect_vreg.gather [hbm4b:s4+s2], $0x80, v4, vm0, $0xb8;
	[tilespmem:$0x1C700] =	vst v63  }
0x28b: {  	s16 =	simm.s32 $0x5F00  }
0x28c: {  	[tilespmem:s16], [sflag:$0x1] =	stream.indirect_vreg.gather [hbm4b:s4+s2], $0x80, v3, vm0, $0xb8;
	[tilespmem:$0x1C700] =	vst v63  }
0x28d: {  	v3 =	vld [tilespmem:$0x360];
	_ =	sdelay $0x4  }
0x28e: {  	v54 =	vshll.u32 v3, $0x1  }
0x28f: {  	v3 =	vand.u32 $0x7, v3;
	v4 =	vand.u32 $0xFFFFFFF0, v54  }
0x290: {  	v3 =	vor.u32 v3, v4  }
0x291: {  	v4 =	vperm.xlane v3, v0;
	_ =	sdelay $0x1  }
0x292: {  	v3 =	vperm.xlane v3, v2;
	v4 =	vadd.s32 v1, v4;
	_ =	sdelay $0x1  }
0x293: {  	v3 =	vadd.s32 v1, v3;
	_ =	sdelay $0x1  }
0x294: {  	s21 =	simm.s32 $0x6700  }
0x295: {  	[tilespmem:s21], [sflag:$0x1] =	stream.indirect_vreg.gather [hbm4b:s4+s2], $0x80, v4, vm0, $0xb8;
	[tilespmem:$0x1C700] =	vst v63  }
0x296: {  	s23 =	simm.s32 $0x6F00  }
0x297: {  	[tilespmem:s23], [sflag:$0x1] =	stream.indirect_vreg.gather [hbm4b:s4+s2], $0x80, v3, vm0, $0xb8;
	[tilespmem:$0x1C700] =	vst v63  }
0x298: {  	v3 =	vld [tilespmem:$0x370];
	_ =	sdelay $0x4  }
0x299: {  	v55 =	vshll.u32 v3, $0x1  }
0x29a: {  	v3 =	vand.u32 $0x7, v3;
	v4 =	vand.u32 $0xFFFFFFF0, v55  }
0x29b: {  	v3 =	vor.u32 v3, v4  }
0x29c: {  	v4 =	vperm.xlane v3, v0;
	_ =	sdelay $0x1  }
0x29d: {  	v3 =	vperm.xlane v3, v2;
	v4 =	vadd.s32 v1, v4;
	_ =	sdelay $0x1  }
0x29e: {  	v3 =	vadd.s32 v1, v3;
	_ =	sdelay $0x1  }
0x29f: {  	s22 =	simm.s32 $0x7700  }
0x2a0: {  	[tilespmem:s22], [sflag:$0x1] =	stream.indirect_vreg.gather [hbm4b:s4+s2], $0x80, v4, vm0, $0xb8;
	[tilespmem:$0x1C700] =	vst v63  }
0x2a1: {  	s30 =	simm.s32 $0x7F00  }
0x2a2: {  	[tilespmem:s30], [sflag:$0x1] =	stream.indirect_vreg.gather [hbm4b:s4+s2], $0x80, v3, vm0, $0xb8;
	[tilespmem:$0x1C700] =	vst v63  }
0x2a3: {  	_ =	swait.ge [sflag:s19], $0x8000  }
0x2a4: {  	[sflag:s19] =	ssyncset.done $0x0  }
0x2a5: {  	s23 =	rddreg [dreg:$0x8];
	[sflag:s19] =	ssyncadd.s32 $0xFFFF8000  }
0x2a6: {  	[hbm4b:s23+s2] =	stream.linear.scatter [tilespmem:s8], [sflag:$0x4], $0x8000, $0x38;
	[tilespmem:$0x1C700] =	vst v63  }
0x2a7: {  	_ =	swait.ge [sflag:s20], $0x8000  }
0x2a8: {  	[sflag:s20] =	ssyncset.done $0x0  }
0x2a9: {  	[sflag:s20] =	ssyncadd.s32 $0xFFFF8000  }
0x2aa: {  	v3 =	vld [tilespmem:$0x380];
	_ =	sdelay $0x4  }
0x2ab: {  	v56 =	vshll.u32 v3, $0x1  }
0x2ac: {  	v3 =	vand.u32 $0x7, v3;
	v4 =	vand.u32 $0xFFFFFFF0, v56  }
0x2ad: {  	v3 =	vor.u32 v3, v4  }
0x2ae: {  	v4 =	vperm.xlane v3, v0;
	_ =	sdelay $0x1  }
0x2af: {  	v3 =	vperm.xlane v3, v2;
	v4 =	vadd.s32 v1, v4;
	_ =	sdelay $0x1  }
0x2b0: {  	v3 =	vadd.s32 v1, v3;
	_ =	sdelay $0x2  }
0x2b1: {  	[tilespmem:s8], [sflag:$0x2] =	stream.indirect_vreg.gather [hbm4b:s4+s2], $0x80, v4, vm0, $0xb8;
	[tilespmem:$0x1C700] =	vst v63  }
0x2b2: {  	s30 =	simm.s32 $0x8F00  }
0x2b3: {  	[tilespmem:s30], [sflag:$0x2] =	stream.indirect_vreg.gather [hbm4b:s4+s2], $0x80, v3, vm0, $0xb8;
	[tilespmem:$0x1C700] =	vst v63  }
0x2b4: {  	v3 =	vld [tilespmem:$0x390];
	_ =	sdelay $0x4  }
0x2b5: {  	v57 =	vshll.u32 v3, $0x1  }
0x2b6: {  	v3 =	vand.u32 $0x7, v3;
	v4 =	vand.u32 $0xFFFFFFF0, v57  }
0x2b7: {  	v3 =	vor.u32 v3, v4  }
0x2b8: {  	v4 =	vperm.xlane v3, v0;
	_ =	sdelay $0x1  }
0x2b9: {  	v3 =	vperm.xlane v3, v2;
	v4 =	vadd.s32 v1, v4;
	_ =	sdelay $0x1  }
0x2ba: {  	v3 =	vadd.s32 v1, v3;
	_ =	sdelay $0x1  }
0x2bb: {  	s6 =	simm.s32 $0x9700  }
0x2bc: {  	[tilespmem:s6], [sflag:$0x2] =	stream.indirect_vreg.gather [hbm4b:s4+s2], $0x80, v4, vm0, $0xb8;
	[tilespmem:$0x1C700] =	vst v63  }
0x2bd: {  	s13 =	simm.s32 $0x9F00  }
0x2be: {  	[tilespmem:s13], [sflag:$0x2] =	stream.indirect_vreg.gather [hbm4b:s4+s2], $0x80, v3, vm0, $0xb8;
	[tilespmem:$0x1C700] =	vst v63  }
0x2bf: {  	v3 =	vld [tilespmem:$0x3A0];
	_ =	sdelay $0x4  }
0x2c0: {  	v58 =	vshll.u32 v3, $0x1  }
0x2c1: {  	v3 =	vand.u32 $0x7, v3;
	v4 =	vand.u32 $0xFFFFFFF0, v58  }
0x2c2: {  	v3 =	vor.u32 v3, v4  }
0x2c3: {  	v4 =	vperm.xlane v3, v0;
	_ =	sdelay $0x1  }
0x2c4: {  	v3 =	vperm.xlane v3, v2;
	v4 =	vadd.s32 v1, v4;
	_ =	sdelay $0x1  }
0x2c5: {  	v3 =	vadd.s32 v1, v3;
	_ =	sdelay $0x1  }
0x2c6: {  	s25 =	simm.s32 $0xA700  }
0x2c7: {  	[tilespmem:s25], [sflag:$0x2] =	stream.indirect_vreg.gather [hbm4b:s4+s2], $0x80, v4, vm0, $0xb8;
	[tilespmem:$0x1C700] =	vst v63  }
0x2c8: {  	s31 =	simm.s32 $0xAF00  }
0x2c9: {  	[tilespmem:s31], [sflag:$0x2] =	stream.indirect_vreg.gather [hbm4b:s4+s2], $0x80, v3, vm0, $0xb8;
	[tilespmem:$0x1C700] =	vst v63  }
0x2ca: {  	v3 =	vld [tilespmem:$0x3B0];
	_ =	sdelay $0x4  }
0x2cb: {  	v59 =	vshll.u32 v3, $0x1  }
0x2cc: {  	v3 =	vand.u32 $0x7, v3;
	v4 =	vand.u32 $0xFFFFFFF0, v59  }
0x2cd: {  	v3 =	vor.u32 v3, v4  }
0x2ce: {  	v4 =	vperm.xlane v3, v0;
	_ =	sdelay $0x1  }
0x2cf: {  	v3 =	vperm.xlane v3, v2;
	v4 =	vadd.s32 v1, v4;
	_ =	sdelay $0x1  }
0x2d0: {  	v3 =	vadd.s32 v1, v3;
	_ =	sdelay $0x1  }
0x2d1: {  	s5 =	simm.s32 $0xB700  }
0x2d2: {  	[tilespmem:s5], [sflag:$0x2] =	stream.indirect_vreg.gather [hbm4b:s4+s2], $0x80, v4, vm0, $0xb8;
	[tilespmem:$0x1C700] =	vst v63  }
0x2d3: {  	s10 =	simm.s32 $0xBF00  }
0x2d4: {  	[tilespmem:s10], [sflag:$0x2] =	stream.indirect_vreg.gather [hbm4b:s4+s2], $0x80, v3, vm0, $0xb8;
	[tilespmem:$0x1C700] =	vst v63  }
0x2d5: {  	v3 =	vld [tilespmem:$0x3C0];
	_ =	sdelay $0x4  }
0x2d6: {  	v60 =	vshll.u32 v3, $0x1  }
0x2d7: {  	v3 =	vand.u32 $0x7, v3;
	v4 =	vand.u32 $0xFFFFFFF0, v60  }
0x2d8: {  	v3 =	vor.u32 v3, v4  }
0x2d9: {  	v4 =	vperm.xlane v3, v0;
	_ =	sdelay $0x1  }
0x2da: {  	v3 =	vperm.xlane v3, v2;
	v4 =	vadd.s32 v1, v4;
	_ =	sdelay $0x1  }
0x2db: {  	v3 =	vadd.s32 v1, v3;
	_ =	sdelay $0x1  }
0x2dc: {  	s24 =	simm.s32 $0xC700  }
0x2dd: {  	[tilespmem:s24], [sflag:$0x2] =	stream.indirect_vreg.gather [hbm4b:s4+s2], $0x80, v4, vm0, $0xb8;
	[tilespmem:$0x1C700] =	vst v63  }
0x2de: {  	s12 =	simm.s32 $0xCF00  }
0x2df: {  	[tilespmem:s12], [sflag:$0x2] =	stream.indirect_vreg.gather [hbm4b:s4+s2], $0x80, v3, vm0, $0xb8;
	[tilespmem:$0x1C700] =	vst v63  }
0x2e0: {  	v3 =	vld [tilespmem:$0x3D0];
	_ =	sdelay $0x4  }
0x2e1: {  	v61 =	vshll.u32 v3, $0x1  }
0x2e2: {  	v3 =	vand.u32 $0x7, v3;
	v4 =	vand.u32 $0xFFFFFFF0, v61  }
0x2e3: {  	v3 =	vor.u32 v3, v4  }
0x2e4: {  	v4 =	vperm.xlane v3, v0;
	_ =	sdelay $0x1  }
0x2e5: {  	v3 =	vperm.xlane v3, v2;
	v4 =	vadd.s32 v1, v4;
	_ =	sdelay $0x1  }
0x2e6: {  	v3 =	vadd.s32 v1, v3;
	_ =	sdelay $0x1  }
0x2e7: {  	s26 =	simm.s32 $0xD700  }
0x2e8: {  	[tilespmem:s26], [sflag:$0x2] =	stream.indirect_vreg.gather [hbm4b:s4+s2], $0x80, v4, vm0, $0xb8;
	[tilespmem:$0x1C700] =	vst v63  }
0x2e9: {  	s14 =	simm.s32 $0xDF00  }
0x2ea: {  	[tilespmem:s14], [sflag:$0x2] =	stream.indirect_vreg.gather [hbm4b:s4+s2], $0x80, v3, vm0, $0xb8;
	[tilespmem:$0x1C700] =	vst v63  }
0x2eb: {  	v3 =	vld [tilespmem:$0x3E0];
	_ =	sdelay $0x4  }
0x2ec: {  	v62 =	vshll.u32 v3, $0x1  }
0x2ed: {  	v3 =	vand.u32 $0x7, v3;
	v4 =	vand.u32 $0xFFFFFFF0, v62  }
0x2ee: {  	v3 =	vor.u32 v3, v4  }
0x2ef: {  	v4 =	vperm.xlane v3, v0;
	_ =	sdelay $0x1  }
0x2f0: {  	v3 =	vperm.xlane v3, v2;
	v4 =	vadd.s32 v1, v4;
	_ =	sdelay $0x1  }
0x2f1: {  	v3 =	vadd.s32 v1, v3;
	_ =	sdelay $0x1  }
0x2f2: {  	s28 =	simm.s32 $0xE700  }
0x2f3: {  	[tilespmem:s28], [sflag:$0x2] =	stream.indirect_vreg.gather [hbm4b:s4+s2], $0x80, v4, vm0, $0xb8;
	[tilespmem:$0x1C700] =	vst v63  }
0x2f4: {  	s11 =	simm.s32 $0xEF00  }
0x2f5: {  	[tilespmem:s11], [sflag:$0x2] =	stream.indirect_vreg.gather [hbm4b:s4+s2], $0x80, v3, vm0, $0xb8;
	[tilespmem:$0x1C700] =	vst v63  }
0x2f6: {  	v3 =	vld [tilespmem:$0x3F0];
	_ =	sdelay $0x4  }
0x2f7: {  	v63 =	vshll.u32 v3, $0x1  }
0x2f8: {  	v3 =	vand.u32 $0x7, v3;
	v4 =	vand.u32 $0xFFFFFFF0, v63  }
0x2f9: {  	v3 =	vor.u32 v3, v4  }
0x2fa: {  	v4 =	vperm.xlane v3, v0;
	_ =	sdelay $0x1  }
0x2fb: {  	v3 =	vperm.xlane v3, v2;
	v4 =	vadd.s32 v1, v4;
	_ =	sdelay $0x1  }
0x2fc: {  	v3 =	vadd.s32 v1, v3;
	_ =	sdelay $0x1  }
0x2fd: {  	s1 =	simm.s32 $0xF700  }
0x2fe: {  	[tilespmem:s1], [sflag:$0x2] =	stream.indirect_vreg.gather [hbm4b:s4+s2], $0x80, v4, vm0, $0xb8;
	[tilespmem:$0x1C700] =	vst v63  }
0x2ff: {  	s3 =	simm.s32 $0xFF00  }
0x300: {  	[tilespmem:s3], [sflag:$0x2] =	stream.indirect_vreg.gather [hbm4b:s4+s2], $0x80, v3, vm0, $0xb8;
	[tilespmem:$0x1C700] =	vst v63  }
0x301: {  	_ =	swait.ge [sflag:s17], $0x8000  }
0x302: {  	[sflag:s17] =	ssyncset.done $0x0  }
0x303: {  	s15 =	rddreg [dreg:$0x9];
	[sflag:s17] =	ssyncadd.s32 $0xFFFF8000  }
0x304: {  	[hbm4b:s15+s2] =	stream.linear.scatter [tilespmem:s0], [sflag:$0x3], $0x8000, $0x38;
	[tilespmem:$0x1C700] =	vst v63  }
0x305: {  	_ =	swait.ge [sflag:s19], $0x8000  }
0x306: {  	[sflag:s19] =	ssyncset.done $0x0  }
0x307: {  	s16 =	rddreg [dreg:$0xa];
	[sflag:s19] =	ssyncadd.s32 $0xFFFF8000  }
0x308: {  	[hbm4b:s16+s2] =	stream.linear.scatter [tilespmem:s8], [sflag:$0x4], $0x8000, $0x38;
	[tilespmem:$0x1C700] =	vst v63  }
0x309: {  	_ =	swait.ge [sflag:s20], $0x8000  }
0x30a: {  	[sflag:s20] =	ssyncset.done $0x0  }
0x30b: {  	[sflag:s20] =	ssyncadd.s32 $0xFFFF8000  }
0x30c: {  	_ =	swait.ge [sflag:s18], $0x8000  }
0x30d: {  	[sflag:s18] =	ssyncset.done $0x0  }
0x30e: {  	s22 =	simm.s32 $0x400;
	s21 =	rddreg [dreg:$0xb];
	[sflag:s18] =	ssyncadd.s32 $0xFFFF8000  }
0x30f: {  	[tilespmem:s22], [sflag:$0x5] =	stream.linear.gather [hbm4b:s21+s2], $0x200, $0x38;
	[tilespmem:$0x1C700] =	vst v63  }
0x310: {  	_ =	swait.ge [sflag:s9], $0x200  }
0x311: {  	s25 =	simm.s32 $0x10700;
	[sflag:s9] =	ssyncset.done $0x0  }
0x312: {  	s24 =	simm.s32 $0x80;
	s26 =	rddreg [dreg:$0x1c];
	[sflag:s9] =	ssyncadd.s32 $0xFFFFFE00  }
0x313: {  	[tilespmem:s25], [sflag:$0x1] =	stream.indirect.gather [hbm4b:s26+s24], $0x80, s22, s24, $0xb8;
	[tilespmem:$0x1C700] =	vst v63  }
0x314: {  	s28 =	simm.s32 $0x14700;
	s23 =	rddreg [dreg:$0x15]  }
0x315: {  	[tilespmem:s28], [sflag:$0x2] =	stream.indirect.gather [hbm4b:s26+s24], $0x80, s23, s24, $0xb8;
	[tilespmem:$0x1C700] =	vst v63  }
0x316: {  	_ =	swait.ge [sflag:s17], $0x4000  }
0x317: {  	[sflag:s17] =	ssyncset.done $0x0  }
0x318: {  	s30 =	rddreg [dreg:$0xc];
	[sflag:s17] =	ssyncadd.s32 $0xFFFFC000  }
0x319: {  	[hbm4b:s30+s2] =	stream.linear.scatter [tilespmem:s25], [sflag:$0x3], $0x4000, $0x38;
	[tilespmem:$0x1C700] =	vst v63  }
0x31a: {  	_ =	swait.ge [sflag:s18], $0x4000  }
0x31b: {  	[sflag:s18] =	ssyncset.done $0x0  }
0x31c: {  	s31 =	rddreg [dreg:$0x16];
	[sflag:s18] =	ssyncadd.s32 $0xFFFFC000  }
0x31d: {  	[tilespmem:s25], [sflag:$0x1] =	stream.indirect.gather [hbm4b:s26+s24], $0x80, s31, s24, $0xb8;
	[tilespmem:$0x1C700] =	vst v63  }
0x31e: {  	_ =	swait.ge [sflag:s19], $0x4000  }
0x31f: {  	[sflag:s19] =	ssyncset.done $0x0  }
0x320: {  	s6 =	rddreg [dreg:$0xd];
	[sflag:s19] =	ssyncadd.s32 $0xFFFFC000  }
0x321: {  	[hbm4b:s6+s2] =	stream.linear.scatter [tilespmem:s28], [sflag:$0x4], $0x4000, $0x38;
	[tilespmem:$0x1C700] =	vst v63  }
0x322: {  	_ =	swait.ge [sflag:s20], $0x4000  }
0x323: {  	[sflag:s20] =	ssyncset.done $0x0  }
0x324: {  	s10 =	rddreg [dreg:$0x17];
	[sflag:s20] =	ssyncadd.s32 $0xFFFFC000  }
0x325: {  	[tilespmem:s28], [sflag:$0x2] =	stream.indirect.gather [hbm4b:s26+s24], $0x80, s10, s24, $0xb8;
	[tilespmem:$0x1C700] =	vst v63  }
0x326: {  	_ =	swait.ge [sflag:s17], $0x4000  }
0x327: {  	[sflag:s17] =	ssyncset.done $0x0  }
0x328: {  	s11 =	rddreg [dreg:$0xe];
	[sflag:s17] =	ssyncadd.s32 $0xFFFFC000  }
0x329: {  	[hbm4b:s11+s2] =	stream.linear.scatter [tilespmem:s25], [sflag:$0x3], $0x4000, $0x38;
	[tilespmem:$0x1C700] =	vst v63  }
0x32a: {  	_ =	swait.ge [sflag:s19], $0x4000  }
0x32b: {  	[sflag:s19] =	ssyncset.done $0x0  }
0x32c: {  	s12 =	rddreg [dreg:$0xf];
	[sflag:s19] =	ssyncadd.s32 $0xFFFFC000  }
0x32d: {  	[hbm4b:s12+s2] =	stream.linear.scatter [tilespmem:s28], [sflag:$0x4], $0x4000, $0x38;
	[tilespmem:$0x1C700] =	vst v63  }
0x32e: {  	_ =	swait.ge [sflag:s20], $0x4000  }
0x32f: {  	[sflag:s20] =	ssyncset.done $0x0  }
0x330: {  	[sflag:s20] =	ssyncadd.s32 $0xFFFFC000  }
0x331: {  	_ =	swait.ge [sflag:s18], $0x4000  }
0x332: {  	[sflag:s18] =	ssyncset.done $0x0  }
0x333: {  	s14 =	simm.s32 $0x600;
	s13 =	rddreg [dreg:$0x10];
	[sflag:s18] =	ssyncadd.s32 $0xFFFFC000  }
0x334: {  	[tilespmem:s14], [sflag:$0x5] =	stream.linear.gather [hbm4b:s13+s2], $0x100, $0x38;
	[tilespmem:$0x1C700] =	vst v63  }
0x335: {  	_ =	swait.ge [sflag:s9], $0x100  }
0x336: {  	s16 =	simm.s32 $0x40;
	[sflag:s9] =	ssyncset.done $0x0  }
0x337: {  	s21 =	simm.s32 $0x18700;
	s22 =	rddreg [dreg:$0x1d];
	[sflag:s9] =	ssyncadd.s32 $0xFFFFFF00  }
0x338: {  	[tilespmem:s21], [sflag:$0x1] =	stream.indirect.gather [hbm4b:s22+s16], $0x80, s14, s16, $0xb8;
	[tilespmem:$0x1C700] =	vst v63  }
0x339: {  	s23 =	simm.s32 $0x1A700;
	s15 =	rddreg [dreg:$0x18]  }
0x33a: {  	[tilespmem:s23], [sflag:$0x2] =	stream.indirect.gather [hbm4b:s22+s16], $0x80, s15, s16, $0xb8;
	[tilespmem:$0x1C700] =	vst v63  }
0x33b: {  	_ =	swait.ge [sflag:s17], $0x2000  }
0x33c: {  	[sflag:s17] =	ssyncset.done $0x0  }
0x33d: {  	s24 =	rddreg [dreg:$0x11];
	[sflag:s17] =	ssyncadd.s32 $0xFFFFE000  }
0x33e: {  	[hbm4b:s24+s2] =	stream.linear.scatter [tilespmem:s21], [sflag:$0x3], $0x2000, $0x38;
	[tilespmem:$0x1C700] =	vst v63  }
0x33f: {  	_ =	swait.ge [sflag:s18], $0x2000  }
0x340: {  	[sflag:s18] =	ssyncset.done $0x0  }
0x341: {  	s25 =	rddreg [dreg:$0x19];
	[sflag:s18] =	ssyncadd.s32 $0xFFFFE000  }
0x342: {  	[tilespmem:s21], [sflag:$0x1] =	stream.indirect.gather [hbm4b:s22+s16], $0x80, s25, s16, $0xb8;
	[tilespmem:$0x1C700] =	vst v63  }
0x343: {  	_ =	swait.ge [sflag:s19], $0x2000  }
0x344: {  	[sflag:s19] =	ssyncset.done $0x0  }
0x345: {  	s26 =	rddreg [dreg:$0x12];
	[sflag:s19] =	ssyncadd.s32 $0xFFFFE000  }
0x346: {  	[hbm4b:s26+s2] =	stream.linear.scatter [tilespmem:s23], [sflag:$0x4], $0x2000, $0x38;
	[tilespmem:$0x1C700] =	vst v63  }
0x347: {  	_ =	swait.ge [sflag:s20], $0x2000  }
0x348: {  	[sflag:s20] =	ssyncset.done $0x0  }
0x349: {  	s28 =	rddreg [dreg:$0x1a];
	[sflag:s20] =	ssyncadd.s32 $0xFFFFE000  }
0x34a: {  	[tilespmem:s23], [sflag:$0x2] =	stream.indirect.gather [hbm4b:s22+s16], $0x80, s28, s16, $0xb8;
	[tilespmem:$0x1C700] =	vst v63  }
0x34b: {  	_ =	swait.ge [sflag:s17], $0x2000  }
0x34c: {  	[sflag:s17] =	ssyncset.done $0x0  }
0x34d: {  	s30 =	rddreg [dreg:$0x13];
	[sflag:s17] =	ssyncadd.s32 $0xFFFFE000  }
0x34e: {  	[hbm4b:s30+s2] =	stream.linear.scatter [tilespmem:s21], [sflag:$0x3], $0x2000, $0x38;
	[tilespmem:$0x1C700] =	vst v63  }
0x34f: {  	_ =	swait.ge [sflag:s19], $0x2000  }
0x350: {  	[sflag:s19] =	ssyncset.done $0x0  }
0x351: {  	s31 =	rddreg [dreg:$0x14];
	[sflag:s19] =	ssyncadd.s32 $0xFFFFE000  }
0x352: {  	[hbm4b:s31+s2] =	stream.linear.scatter [tilespmem:s23], [sflag:$0x4], $0x2000, $0x38;
	[tilespmem:$0x1C700] =	vst v63  }
0x353: {  	p0 =	sne.s32 s7, $0x1;
	_ =	swait.ge [sflag:s20], $0x2000  }
.Ltmp0:
0x354: {  	[sflag:s20] =	ssyncset.done $0x0;
	(pc) =	sbr.rel @p0 .LBB2_1-.Ltmp0, $4  }
0x355: {  	[sflag:s20] =	ssyncadd.s32 $0xFFFFE000  }
0x356: {  	_ =	swait.ge [sflag:s18], $0x2000  }
0x357: {  	[sflag:s18] =	ssyncset.done $0x0  }
0x358: {  	s7 =	sadd.s32 $0xFFFFFFFF, s7;
	[sflag:s18] =	ssyncadd.s32 $0xFFFFE000  }
0x359: {  	_ =	sfence.sel $0x180000  }
0x35a: {  	[bflag:$0x0] =	sbarrier.arrive $0xFFFF  }
0x35b: {  	_ =	strace $0x90000047  }
0x35c: {  	s0 =	stileid.u32;
	[bflag:$0x2] =	sbarrier.arrive $0xFFFF  }
0x35d: {  	p0 =	sne.s32 s0, $0x0;
	s0 =	rddreg [dreg:$0x2]  }
0x35e: {  	s0 =	sadd.s32 @!p0 $0x100000, s0  }
0x35f: {  	[sflag:s0] =	ssyncadd.tile.s32 @!p0 $0x1;
	_ =	shalt  }
.Lfunc_end2:
_tile_overlayer_lowered:
.L_overlay_start_2:
0x360: {  	(tag) =	ssettag $0x2  }
0x361: {  	s0 =	rddreg [dreg:$0x0];
	s2 =	stileid.u32  }
0x362: {  	s1 =	rddreg [dreg:$0x1];
	p0 =	sne.s32 s2, $0x0  }
0x363: {  	s3 =	rddreg [dreg:$0x2];
	[bflag:$0x3] =	sbarrier.arrive $0xFFFF;
	s2 =	simm.s32 @!p0 $0x1C05  }
0x364: {  	[timem:s3], [sflag:s2] =	dma.local @!p0 [hbm:s0], s1  }
0x365: {  	s0 =	simm.s32 @!p0 $0x5  }
0x366: {  	_ =	swait.ge @!p0 [sflag:s0], s1  }
0x367: {  	s1 =	ssub.s32 @!p0 $0x0, s1;
	[sflag:s0] =	ssyncset.done @!p0 $0x0  }
0x368: {  	[sflag:s0] =	ssyncadd.s32 @!p0 s1  }
0x369: {  	[bflag:$0x3] =	sbarrier.arrive $0xFFFF  }
0x36a: {  	_ =	shalt  }

</sc_bundles>
